<compile_context>
chip_gen: v7x
topology: tpu7x:2x2x1
jax: 0.10.2.dev20260603
libtpu: 0.0.44.dev20260713+nightly
codegen_flags: <defaults>
</compile_context>

<pallas_src>
import functools

import jax
import jax.numpy as jnp
from jax import lax
from jax.experimental import pallas as pl
from jax.experimental.pallas import tpu as pltpu
from jax.experimental.pallas import tpu_sc as plsc

BATCH = 16384
HIST = 200
N = BATCH * HIST
VOCAB_N = 1_000_000
NUM_WORKERS = 32
BPW = N // NUM_WORKERS
CHUNK = 12_800
NCHUNK = BPW // CHUNK
SEG = 12_480
NROUND = 5
TAIL_OFF = NROUND * 16 * SEG
TAIL_SEG = 200


def _make_kernel():
    mesh = plsc.VectorSubcoreMesh(core_axis_name="c", subcore_axis_name="s")

    @functools.partial(
        pl.kernel,
        mesh=mesh,
        out_type=jax.ShapeDtypeStruct((N,), jnp.float32),
        scratch_types=[
            pltpu.VMEM_SHARED((VOCAB_N,), jnp.float32),
            pltpu.VMEM((CHUNK,), jnp.int32),
            pltpu.VMEM((CHUNK,), jnp.int32),
            pltpu.VMEM((CHUNK,), jnp.float32),
            pltpu.VMEM((CHUNK,), jnp.float32),
            pltpu.SemaphoreType.DMA,
            pltpu.SemaphoreType.DMA,
            pltpu.SemaphoreType.DMA,
            pltpu.SemaphoreType.DMA,
            pltpu.SemaphoreType.DMA,
            pltpu.SemaphoreType.DMA,
        ],
    )
    def gather_kernel(tok_hbm, tab_hbm, out_hbm, tab_sp, idx0, idx1,
                      val0, val1, si0, si1, so0, so1, sga, sgb):
        s = lax.axis_index("s")
        wid = s * 2 + lax.axis_index("c")
        base = wid * BPW
        idx = (idx0, idx1)
        val = (val0, val1)
        sem_i = (si0, si1)
        sem_o = (so0, so1)
        sem_g = (sga, sgb)
        stg = (val0, val1)

        pltpu.async_copy(tok_hbm.at[pl.ds(base, CHUNK)], idx0, si0)

        def slices(r):
            if r < NROUND:
                off, ln = (r * 16 + s) * SEG, SEG
            else:
                off, ln = TAIL_OFF + s * TAIL_SEG, TAIL_SEG
            return (tab_hbm.at[pl.ds(off, ln)],
                    stg[r % 2].at[pl.ds(0, ln)],
                    tab_sp.at[pl.ds(off, ln)],
                    sem_g[r % 2])

        def hop1(r):
            src, buf, _, sem = slices(r)
            pltpu.async_copy(src, buf, sem)

        def hop1_wait(r):
            src, buf, _, sem = slices(r)
            pltpu.make_async_copy(src, buf, sem).wait()

        def hop2(r):
            _, buf, dst, sem = slices(r)
            pltpu.async_copy(buf, dst, sem)

        def hop2_wait(r):
            _, buf, dst, sem = slices(r)
            pltpu.make_async_copy(buf, dst, sem).wait()

        hop1(0)
        for r in range(NROUND):
            hop1_wait(r)
            hop2(r)
            nxt = r + 1
            if nxt < NROUND:
                if nxt >= 2:
                    hop2_wait(nxt - 2)
                hop1(nxt)
            else:
                @pl.when(s < 8)
                def _():
                    hop2_wait(nxt - 2)
                    hop1(nxt)
        @pl.when(s < 8)
        def _():
            hop1_wait(NROUND)
            hop2(NROUND)
            hop2_wait(NROUND - 1)
            hop2_wait(NROUND)

        @pl.when(s >= 8)
        def _():
            hop2_wait(NROUND - 2)
            hop2_wait(NROUND - 1)

        plsc.subcore_barrier()

        for i in range(NCHUNK):
            b = i % 2
            if i >= 2:
                pltpu.make_async_copy(
                    val[b], out_hbm.at[pl.ds(base + (i - 2) * CHUNK, CHUNK)],
                    sem_o[b]).wait()
            pltpu.make_async_copy(
                tok_hbm.at[pl.ds(base + i * CHUNK, CHUNK)], idx[b],
                sem_i[b]).wait()
            pltpu.async_copy(tab_sp.at[idx[b]], val[b], sem_g[b])
            if i >= 1:
                pltpu.make_async_copy(tab_sp.at[idx[1 - b]], val[1 - b],
                                      sem_g[1 - b]).wait()
                pltpu.async_copy(
                    val[1 - b],
                    out_hbm.at[pl.ds(base + (i - 1) * CHUNK, CHUNK)],
                    sem_o[1 - b])
            if i + 1 < NCHUNK:
                pltpu.async_copy(
                    tok_hbm.at[pl.ds(base + (i + 1) * CHUNK, CHUNK)],
                    idx[1 - b], sem_i[1 - b])
        bl = (NCHUNK - 1) % 2
        pltpu.make_async_copy(tab_sp.at[idx[bl]], val[bl],
                              sem_g[bl]).wait()
        pltpu.async_copy(
            val[bl], out_hbm.at[pl.ds(base + (NCHUNK - 1) * CHUNK, CHUNK)],
            sem_o[bl])
        for i in range(NCHUNK - 2, NCHUNK):
            b = i % 2
            pltpu.make_async_copy(
                val[b], out_hbm.at[pl.ds(base + i * CHUNK, CHUNK)],
                sem_o[b]).wait()

    return gather_kernel


_GATHER = _make_kernel()


def kernel(tokens, vocab_table):
    flat = tokens.reshape(N)
    out = _GATHER(flat, vocab_table)
    return out.reshape(BATCH, HIST)

# --- scband reference (transcript-rebuilt; emitter-appended) ---
"""Pipeline reference for scband-vocab-transform-49709951484810 (READ-ONLY COPY).

The authoritative reference and input builder live on the scoring server;
editing this copy changes nothing except your own understanding.
"""

import jax, jax.numpy as jnp
import numpy as np

VOCAB = 1000000
BATCH = 16384
HIST = 200

def setup_inputs(seed: int = 0) -> dict:
    key = jax.random.key(seed)
    k1, k2 = jax.random.split(key)
    # Pre-tokenized input: each entry is a raw token index into the vocab mapping table.
    tokens = jax.random.randint(k1, (BATCH, HIST), 0, VOCAB, dtype=jnp.int32)
    # Vocab mapping table: the Vocab object's token -> id mapping, materialized as a
    # dense lookup table (one entry per vocab slot). Stored as float32 so the lookup
    # is representable as a differentiable gather (mirrors an embedding-style encode).
    vocab_table = jax.random.normal(k2, (VOCAB,), dtype=jnp.float32)
    return {"tokens": tokens, "vocab_table": vocab_table}

def reference(tokens, vocab_table):
    # VocabTransform.forward: vocab.encode(input) for a batch of token sequences.
    # vocab.encode maps each token to its id via table lookup -> a row-gather.
    # For List[List[str]] input this is applied per sequence; vectorized here as a
    # single batched gather over the [BATCH, HIST] token grid.
    encoded = jnp.take(vocab_table, tokens, axis=0)
    return encoded

if __name__ == "__main__":
    import jax
    _d = setup_inputs()
    print(jax.jit(kernel)(*tuple(_d.values())))

</pallas_src>

<mosaic_0001>
#map = affine_map<(d0, d1) -> (0)>
module attributes {stable_mosaic.version = 14 : i64} {
  func.func @gather_kernel(%arg0: i32, %arg1: i32, %arg2: memref<3276800xi32, #tpu.memory_space<hbm>>, %arg3: memref<1000000xf32, #tpu.memory_space<hbm>>, %arg4: memref<3276800xf32, #tpu.memory_space<hbm>>, %arg5: memref<1000000xf32, #tpu.memory_space<vmem_shared>>, %arg6: memref<12800xi32, #tpu.memory_space<vmem>>, %arg7: memref<12800xi32, #tpu.memory_space<vmem>>, %arg8: memref<12800xf32, #tpu.memory_space<vmem>>, %arg9: memref<12800xf32, #tpu.memory_space<vmem>>, %arg10: memref<!tpu.dma_semaphore, #tpu.memory_space<semaphore_mem>>, %arg11: memref<!tpu.dma_semaphore, #tpu.memory_space<semaphore_mem>>, %arg12: memref<!tpu.dma_semaphore, #tpu.memory_space<semaphore_mem>>, %arg13: memref<!tpu.dma_semaphore, #tpu.memory_space<semaphore_mem>>, %arg14: memref<!tpu.dma_semaphore, #tpu.memory_space<semaphore_mem>>, %arg15: memref<!tpu.dma_semaphore, #tpu.memory_space<semaphore_mem>>) attributes {dimension_semantics = [#tpu.dimension_semantics<core_parallel>, #tpu.dimension_semantics<subcore_parallel>], iteration_bounds = array<i64: 2, 16>, scalar_prefetch = 0 : i64, scratch_operands = 11 : i64, tpu.core_type = #tpu.core_type<sc_vector_subcore>, window_params = [{transform_indices = #map}, {transform_indices = #map}, {transform_indices = #map}]} {
    %mul3A = arith.constant 2 : i32
    %mul3A_0 = arith.muli %arg1, %mul3A : i32
    %add3A = arith.addi %mul3A_0, %arg0 : i32
    %mul3A_1 = arith.constant 102400 : i32
    %mul3A_2 = arith.muli %add3A, %mul3A_1 : i32
    %dma_start3A = tpu.memref_slice %arg2[%mul3A_2] : memref<3276800xi32, #tpu.memory_space<hbm>> -> memref<12800xi32, #tpu.memory_space<hbm>>
    %dma_start3A_3 = tpu.memref_slice %arg2[%mul3A_2] : memref<3276800xi32, #tpu.memory_space<hbm>> -> memref<12800xi32, #tpu.memory_space<hbm>>
    tpu.enqueue_dma source(%dma_start3A_3 : memref<12800xi32, #tpu.memory_space<hbm>>) target(%arg6 : memref<12800xi32, #tpu.memory_space<vmem>>) target_semaphore(%arg10 : memref<!tpu.dma_semaphore, #tpu.memory_space<semaphore_mem>>)
    %add3A_4 = arith.constant 0 : i32
    %add3A_5 = arith.addi %add3A_4, %arg1 : i32
    %mul3A_6 = arith.constant 12480 : i32
    %mul3A_7 = arith.muli %add3A_5, %mul3A_6 : i32
    %dma_start3A_8 = arith.constant 0 : i32
    %dma_start3A_9 = tpu.memref_slice %arg8[%dma_start3A_8] : memref<12800xf32, #tpu.memory_space<vmem>> -> memref<12480xf32, #tpu.memory_space<vmem>>
    %dma_start3A_10 = tpu.memref_slice %arg3[%mul3A_7] : memref<1000000xf32, #tpu.memory_space<hbm>> -> memref<12480xf32, #tpu.memory_space<hbm>>
    %dma_start3A_11 = arith.constant 0 : i32
    %dma_start3A_12 = tpu.memref_slice %arg8[%dma_start3A_11] : memref<12800xf32, #tpu.memory_space<vmem>> -> memref<12480xf32, #tpu.memory_space<vmem>>
    %dma_start3A_13 = tpu.memref_slice %arg3[%mul3A_7] : memref<1000000xf32, #tpu.memory_space<hbm>> -> memref<12480xf32, #tpu.memory_space<hbm>>
    tpu.enqueue_dma source(%dma_start3A_13 : memref<12480xf32, #tpu.memory_space<hbm>>) target(%dma_start3A_12 : memref<12480xf32, #tpu.memory_space<vmem>>) target_semaphore(%arg14 : memref<!tpu.dma_semaphore, #tpu.memory_space<semaphore_mem>>)
    %add3A_14 = arith.constant 0 : i32
    %add3A_15 = arith.addi %add3A_14, %arg1 : i32
    %mul3A_16 = arith.constant 12480 : i32
    %mul3A_17 = arith.muli %add3A_15, %mul3A_16 : i32
    %dma_wait3A = arith.constant 0 : i32
    %dma_wait3A_18 = tpu.memref_slice %arg8[%dma_wait3A] : memref<12800xf32, #tpu.memory_space<vmem>> -> memref<12480xf32, #tpu.memory_space<vmem>>
    %dma_wait3A_19 = tpu.memref_slice %arg3[%mul3A_17] : memref<1000000xf32, #tpu.memory_space<hbm>> -> memref<12480xf32, #tpu.memory_space<hbm>>
    %dma_wait3A_20 = arith.constant 0 : i32
    %dma_wait3A_21 = tpu.memref_slice %arg8[%dma_wait3A_20] : memref<12800xf32, #tpu.memory_space<vmem>> -> memref<12480xf32, #tpu.memory_space<vmem>>
    %dma_wait3A_22 = tpu.memref_slice %arg3[%mul3A_17] : memref<1000000xf32, #tpu.memory_space<hbm>> -> memref<12480xf32, #tpu.memory_space<hbm>>
    tpu.wait_dma2 semaphore(%arg14 : memref<!tpu.dma_semaphore, #tpu.memory_space<semaphore_mem>>) src(%dma_wait3A_22 : memref<12480xf32, #tpu.memory_space<hbm>>) dst(%dma_wait3A_21 : memref<12480xf32, #tpu.memory_space<vmem>>)
    %add3A_23 = arith.constant 0 : i32
    %add3A_24 = arith.addi %add3A_23, %arg1 : i32
    %mul3A_25 = arith.constant 12480 : i32
    %mul3A_26 = arith.muli %add3A_24, %mul3A_25 : i32
    %dma_start3A_27 = arith.constant 0 : i32
    %dma_start3A_28 = tpu.memref_slice %arg8[%dma_start3A_27] : memref<12800xf32, #tpu.memory_space<vmem>> -> memref<12480xf32, #tpu.memory_space<vmem>>
    %dma_start3A_29 = tpu.memref_slice %arg5[%mul3A_26] : memref<1000000xf32, #tpu.memory_space<vmem_shared>> -> memref<12480xf32, #tpu.memory_space<vmem_shared>>
    %dma_start3A_30 = tpu.memref_slice %arg5[%mul3A_26] : memref<1000000xf32, #tpu.memory_space<vmem_shared>> -> memref<12480xf32, #tpu.memory_space<vmem_shared>>
    %dma_start3A_31 = arith.constant 0 : i32
    %dma_start3A_32 = tpu.memref_slice %arg8[%dma_start3A_31] : memref<12800xf32, #tpu.memory_space<vmem>> -> memref<12480xf32, #tpu.memory_space<vmem>>
    tpu.enqueue_dma source(%dma_start3A_32 : memref<12480xf32, #tpu.memory_space<vmem>>) target(%dma_start3A_30 : memref<12480xf32, #tpu.memory_space<vmem_shared>>) target_semaphore(%arg14 : memref<!tpu.dma_semaphore, #tpu.memory_space<semaphore_mem>>)
    %add3A_33 = arith.constant 16 : i32
    %add3A_34 = arith.addi %add3A_33, %arg1 : i32
    %mul3A_35 = arith.constant 12480 : i32
    %mul3A_36 = arith.muli %add3A_34, %mul3A_35 : i32
    %dma_start3A_37 = arith.constant 0 : i32
    %dma_start3A_38 = tpu.memref_slice %arg9[%dma_start3A_37] : memref<12800xf32, #tpu.memory_space<vmem>> -> memref<12480xf32, #tpu.memory_space<vmem>>
    %dma_start3A_39 = tpu.memref_slice %arg3[%mul3A_36] : memref<1000000xf32, #tpu.memory_space<hbm>> -> memref<12480xf32, #tpu.memory_space<hbm>>
    %dma_start3A_40 = arith.constant 0 : i32
    %dma_start3A_41 = tpu.memref_slice %arg9[%dma_start3A_40] : memref<12800xf32, #tpu.memory_space<vmem>> -> memref<12480xf32, #tpu.memory_space<vmem>>
    %dma_start3A_42 = tpu.memref_slice %arg3[%mul3A_36] : memref<1000000xf32, #tpu.memory_space<hbm>> -> memref<12480xf32, #tpu.memory_space<hbm>>
    tpu.enqueue_dma source(%dma_start3A_42 : memref<12480xf32, #tpu.memory_space<hbm>>) target(%dma_start3A_41 : memref<12480xf32, #tpu.memory_space<vmem>>) target_semaphore(%arg15 : memref<!tpu.dma_semaphore, #tpu.memory_space<semaphore_mem>>)
    %add3A_43 = arith.constant 16 : i32
    %add3A_44 = arith.addi %add3A_43, %arg1 : i32
    %mul3A_45 = arith.constant 12480 : i32
    %mul3A_46 = arith.muli %add3A_44, %mul3A_45 : i32
    %dma_wait3A_47 = arith.constant 0 : i32
    %dma_wait3A_48 = tpu.memref_slice %arg9[%dma_wait3A_47] : memref<12800xf32, #tpu.memory_space<vmem>> -> memref<12480xf32, #tpu.memory_space<vmem>>
    %dma_wait3A_49 = tpu.memref_slice %arg3[%mul3A_46] : memref<1000000xf32, #tpu.memory_space<hbm>> -> memref<12480xf32, #tpu.memory_space<hbm>>
    %dma_wait3A_50 = arith.constant 0 : i32
    %dma_wait3A_51 = tpu.memref_slice %arg9[%dma_wait3A_50] : memref<12800xf32, #tpu.memory_space<vmem>> -> memref<12480xf32, #tpu.memory_space<vmem>>
    %dma_wait3A_52 = tpu.memref_slice %arg3[%mul3A_46] : memref<1000000xf32, #tpu.memory_space<hbm>> -> memref<12480xf32, #tpu.memory_space<hbm>>
    tpu.wait_dma2 semaphore(%arg15 : memref<!tpu.dma_semaphore, #tpu.memory_space<semaphore_mem>>) src(%dma_wait3A_52 : memref<12480xf32, #tpu.memory_space<hbm>>) dst(%dma_wait3A_51 : memref<12480xf32, #tpu.memory_space<vmem>>)
    %add3A_53 = arith.constant 16 : i32
    %add3A_54 = arith.addi %add3A_53, %arg1 : i32
    %mul3A_55 = arith.constant 12480 : i32
    %mul3A_56 = arith.muli %add3A_54, %mul3A_55 : i32
    %dma_start3A_57 = arith.constant 0 : i32
    %dma_start3A_58 = tpu.memref_slice %arg9[%dma_start3A_57] : memref<12800xf32, #tpu.memory_space<vmem>> -> memref<12480xf32, #tpu.memory_space<vmem>>
    %dma_start3A_59 = tpu.memref_slice %arg5[%mul3A_56] : memref<1000000xf32, #tpu.memory_space<vmem_shared>> -> memref<12480xf32, #tpu.memory_space<vmem_shared>>
    %dma_start3A_60 = tpu.memref_slice %arg5[%mul3A_56] : memref<1000000xf32, #tpu.memory_space<vmem_shared>> -> memref<12480xf32, #tpu.memory_space<vmem_shared>>
    %dma_start3A_61 = arith.constant 0 : i32
    %dma_start3A_62 = tpu.memref_slice %arg9[%dma_start3A_61] : memref<12800xf32, #tpu.memory_space<vmem>> -> memref<12480xf32, #tpu.memory_space<vmem>>
    tpu.enqueue_dma source(%dma_start3A_62 : memref<12480xf32, #tpu.memory_space<vmem>>) target(%dma_start3A_60 : memref<12480xf32, #tpu.memory_space<vmem_shared>>) target_semaphore(%arg15 : memref<!tpu.dma_semaphore, #tpu.memory_space<semaphore_mem>>)
    %add3A_63 = arith.constant 0 : i32
    %add3A_64 = arith.addi %add3A_63, %arg1 : i32
    %mul3A_65 = arith.constant 12480 : i32
    %mul3A_66 = arith.muli %add3A_64, %mul3A_65 : i32
    %dma_wait3A_67 = arith.constant 0 : i32
    %dma_wait3A_68 = tpu.memref_slice %arg8[%dma_wait3A_67] : memref<12800xf32, #tpu.memory_space<vmem>> -> memref<12480xf32, #tpu.memory_space<vmem>>
    %dma_wait3A_69 = tpu.memref_slice %arg5[%mul3A_66] : memref<1000000xf32, #tpu.memory_space<vmem_shared>> -> memref<12480xf32, #tpu.memory_space<vmem_shared>>
    %dma_wait3A_70 = tpu.memref_slice %arg5[%mul3A_66] : memref<1000000xf32, #tpu.memory_space<vmem_shared>> -> memref<12480xf32, #tpu.memory_space<vmem_shared>>
    %dma_wait3A_71 = arith.constant 0 : i32
    %dma_wait3A_72 = tpu.memref_slice %arg8[%dma_wait3A_71] : memref<12800xf32, #tpu.memory_space<vmem>> -> memref<12480xf32, #tpu.memory_space<vmem>>
    tpu.wait_dma2 semaphore(%arg14 : memref<!tpu.dma_semaphore, #tpu.memory_space<semaphore_mem>>) src(%dma_wait3A_72 : memref<12480xf32, #tpu.memory_space<vmem>>) dst(%dma_wait3A_70 : memref<12480xf32, #tpu.memory_space<vmem_shared>>)
    %add3A_73 = arith.constant 32 : i32
    %add3A_74 = arith.addi %add3A_73, %arg1 : i32
    %mul3A_75 = arith.constant 12480 : i32
    %mul3A_76 = arith.muli %add3A_74, %mul3A_75 : i32
    %dma_start3A_77 = arith.constant 0 : i32
    %dma_start3A_78 = tpu.memref_slice %arg8[%dma_start3A_77] : memref<12800xf32, #tpu.memory_space<vmem>> -> memref<12480xf32, #tpu.memory_space<vmem>>
    %dma_start3A_79 = tpu.memref_slice %arg3[%mul3A_76] : memref<1000000xf32, #tpu.memory_space<hbm>> -> memref<12480xf32, #tpu.memory_space<hbm>>
    %dma_start3A_80 = arith.constant 0 : i32
    %dma_start3A_81 = tpu.memref_slice %arg8[%dma_start3A_80] : memref<12800xf32, #tpu.memory_space<vmem>> -> memref<12480xf32, #tpu.memory_space<vmem>>
    %dma_start3A_82 = tpu.memref_slice %arg3[%mul3A_76] : memref<1000000xf32, #tpu.memory_space<hbm>> -> memref<12480xf32, #tpu.memory_space<hbm>>
    tpu.enqueue_dma source(%dma_start3A_82 : memref<12480xf32, #tpu.memory_space<hbm>>) target(%dma_start3A_81 : memref<12480xf32, #tpu.memory_space<vmem>>) target_semaphore(%arg14 : memref<!tpu.dma_semaphore, #tpu.memory_space<semaphore_mem>>)
    %add3A_83 = arith.constant 32 : i32
    %add3A_84 = arith.addi %add3A_83, %arg1 : i32
    %mul3A_85 = arith.constant 12480 : i32
    %mul3A_86 = arith.muli %add3A_84, %mul3A_85 : i32
    %dma_wait3A_87 = arith.constant 0 : i32
    %dma_wait3A_88 = tpu.memref_slice %arg8[%dma_wait3A_87] : memref<12800xf32, #tpu.memory_space<vmem>> -> memref<12480xf32, #tpu.memory_space<vmem>>
    %dma_wait3A_89 = tpu.memref_slice %arg3[%mul3A_86] : memref<1000000xf32, #tpu.memory_space<hbm>> -> memref<12480xf32, #tpu.memory_space<hbm>>
    %dma_wait3A_90 = arith.constant 0 : i32
    %dma_wait3A_91 = tpu.memref_slice %arg8[%dma_wait3A_90] : memref<12800xf32, #tpu.memory_space<vmem>> -> memref<12480xf32, #tpu.memory_space<vmem>>
    %dma_wait3A_92 = tpu.memref_slice %arg3[%mul3A_86] : memref<1000000xf32, #tpu.memory_space<hbm>> -> memref<12480xf32, #tpu.memory_space<hbm>>
    tpu.wait_dma2 semaphore(%arg14 : memref<!tpu.dma_semaphore, #tpu.memory_space<semaphore_mem>>) src(%dma_wait3A_92 : memref<12480xf32, #tpu.memory_space<hbm>>) dst(%dma_wait3A_91 : memref<12480xf32, #tpu.memory_space<vmem>>)
    %add3A_93 = arith.constant 32 : i32
    %add3A_94 = arith.addi %add3A_93, %arg1 : i32
    %mul3A_95 = arith.constant 12480 : i32
    %mul3A_96 = arith.muli %add3A_94, %mul3A_95 : i32
    %dma_start3A_97 = arith.constant 0 : i32
    %dma_start3A_98 = tpu.memref_slice %arg8[%dma_start3A_97] : memref<12800xf32, #tpu.memory_space<vmem>> -> memref<12480xf32, #tpu.memory_space<vmem>>
    %dma_start3A_99 = tpu.memref_slice %arg5[%mul3A_96] : memref<1000000xf32, #tpu.memory_space<vmem_shared>> -> memref<12480xf32, #tpu.memory_space<vmem_shared>>
    %dma_start3A_100 = tpu.memref_slice %arg5[%mul3A_96] : memref<1000000xf32, #tpu.memory_space<vmem_shared>> -> memref<12480xf32, #tpu.memory_space<vmem_shared>>
    %dma_start3A_101 = arith.constant 0 : i32
    %dma_start3A_102 = tpu.memref_slice %arg8[%dma_start3A_101] : memref<12800xf32, #tpu.memory_space<vmem>> -> memref<12480xf32, #tpu.memory_space<vmem>>
    tpu.enqueue_dma source(%dma_start3A_102 : memref<12480xf32, #tpu.memory_space<vmem>>) target(%dma_start3A_100 : memref<12480xf32, #tpu.memory_space<vmem_shared>>) target_semaphore(%arg14 : memref<!tpu.dma_semaphore, #tpu.memory_space<semaphore_mem>>)
    %add3A_103 = arith.constant 16 : i32
    %add3A_104 = arith.addi %add3A_103, %arg1 : i32
    %mul3A_105 = arith.constant 12480 : i32
    %mul3A_106 = arith.muli %add3A_104, %mul3A_105 : i32
    %dma_wait3A_107 = arith.constant 0 : i32
    %dma_wait3A_108 = tpu.memref_slice %arg9[%dma_wait3A_107] : memref<12800xf32, #tpu.memory_space<vmem>> -> memref<12480xf32, #tpu.memory_space<vmem>>
    %dma_wait3A_109 = tpu.memref_slice %arg5[%mul3A_106] : memref<1000000xf32, #tpu.memory_space<vmem_shared>> -> memref<12480xf32, #tpu.memory_space<vmem_shared>>
    %dma_wait3A_110 = tpu.memref_slice %arg5[%mul3A_106] : memref<1000000xf32, #tpu.memory_space<vmem_shared>> -> memref<12480xf32, #tpu.memory_space<vmem_shared>>
    %dma_wait3A_111 = arith.constant 0 : i32
    %dma_wait3A_112 = tpu.memref_slice %arg9[%dma_wait3A_111] : memref<12800xf32, #tpu.memory_space<vmem>> -> memref<12480xf32, #tpu.memory_space<vmem>>
    tpu.wait_dma2 semaphore(%arg15 : memref<!tpu.dma_semaphore, #tpu.memory_space<semaphore_mem>>) src(%dma_wait3A_112 : memref<12480xf32, #tpu.memory_space<vmem>>) dst(%dma_wait3A_110 : memref<12480xf32, #tpu.memory_space<vmem_shared>>)
    %add3A_113 = arith.constant 48 : i32
    %add3A_114 = arith.addi %add3A_113, %arg1 : i32
    %mul3A_115 = arith.constant 12480 : i32
    %mul3A_116 = arith.muli %add3A_114, %mul3A_115 : i32
    %dma_start3A_117 = arith.constant 0 : i32
    %dma_start3A_118 = tpu.memref_slice %arg9[%dma_start3A_117] : memref<12800xf32, #tpu.memory_space<vmem>> -> memref<12480xf32, #tpu.memory_space<vmem>>
    %dma_start3A_119 = tpu.memref_slice %arg3[%mul3A_116] : memref<1000000xf32, #tpu.memory_space<hbm>> -> memref<12480xf32, #tpu.memory_space<hbm>>
    %dma_start3A_120 = arith.constant 0 : i32
    %dma_start3A_121 = tpu.memref_slice %arg9[%dma_start3A_120] : memref<12800xf32, #tpu.memory_space<vmem>> -> memref<12480xf32, #tpu.memory_space<vmem>>
    %dma_start3A_122 = tpu.memref_slice %arg3[%mul3A_116] : memref<1000000xf32, #tpu.memory_space<hbm>> -> memref<12480xf32, #tpu.memory_space<hbm>>
    tpu.enqueue_dma source(%dma_start3A_122 : memref<12480xf32, #tpu.memory_space<hbm>>) target(%dma_start3A_121 : memref<12480xf32, #tpu.memory_space<vmem>>) target_semaphore(%arg15 : memref<!tpu.dma_semaphore, #tpu.memory_space<semaphore_mem>>)
    %add3A_123 = arith.constant 48 : i32
    %add3A_124 = arith.addi %add3A_123, %arg1 : i32
    %mul3A_125 = arith.constant 12480 : i32
    %mul3A_126 = arith.muli %add3A_124, %mul3A_125 : i32
    %dma_wait3A_127 = arith.constant 0 : i32
    %dma_wait3A_128 = tpu.memref_slice %arg9[%dma_wait3A_127] : memref<12800xf32, #tpu.memory_space<vmem>> -> memref<12480xf32, #tpu.memory_space<vmem>>
    %dma_wait3A_129 = tpu.memref_slice %arg3[%mul3A_126] : memref<1000000xf32, #tpu.memory_space<hbm>> -> memref<12480xf32, #tpu.memory_space<hbm>>
    %dma_wait3A_130 = arith.constant 0 : i32
    %dma_wait3A_131 = tpu.memref_slice %arg9[%dma_wait3A_130] : memref<12800xf32, #tpu.memory_space<vmem>> -> memref<12480xf32, #tpu.memory_space<vmem>>
    %dma_wait3A_132 = tpu.memref_slice %arg3[%mul3A_126] : memref<1000000xf32, #tpu.memory_space<hbm>> -> memref<12480xf32, #tpu.memory_space<hbm>>
    tpu.wait_dma2 semaphore(%arg15 : memref<!tpu.dma_semaphore, #tpu.memory_space<semaphore_mem>>) src(%dma_wait3A_132 : memref<12480xf32, #tpu.memory_space<hbm>>) dst(%dma_wait3A_131 : memref<12480xf32, #tpu.memory_space<vmem>>)
    %add3A_133 = arith.constant 48 : i32
    %add3A_134 = arith.addi %add3A_133, %arg1 : i32
    %mul3A_135 = arith.constant 12480 : i32
    %mul3A_136 = arith.muli %add3A_134, %mul3A_135 : i32
    %dma_start3A_137 = arith.constant 0 : i32
    %dma_start3A_138 = tpu.memref_slice %arg9[%dma_start3A_137] : memref<12800xf32, #tpu.memory_space<vmem>> -> memref<12480xf32, #tpu.memory_space<vmem>>
    %dma_start3A_139 = tpu.memref_slice %arg5[%mul3A_136] : memref<1000000xf32, #tpu.memory_space<vmem_shared>> -> memref<12480xf32, #tpu.memory_space<vmem_shared>>
    %dma_start3A_140 = tpu.memref_slice %arg5[%mul3A_136] : memref<1000000xf32, #tpu.memory_space<vmem_shared>> -> memref<12480xf32, #tpu.memory_space<vmem_shared>>
    %dma_start3A_141 = arith.constant 0 : i32
    %dma_start3A_142 = tpu.memref_slice %arg9[%dma_start3A_141] : memref<12800xf32, #tpu.memory_space<vmem>> -> memref<12480xf32, #tpu.memory_space<vmem>>
    tpu.enqueue_dma source(%dma_start3A_142 : memref<12480xf32, #tpu.memory_space<vmem>>) target(%dma_start3A_140 : memref<12480xf32, #tpu.memory_space<vmem_shared>>) target_semaphore(%arg15 : memref<!tpu.dma_semaphore, #tpu.memory_space<semaphore_mem>>)
    %add3A_143 = arith.constant 32 : i32
    %add3A_144 = arith.addi %add3A_143, %arg1 : i32
    %mul3A_145 = arith.constant 12480 : i32
    %mul3A_146 = arith.muli %add3A_144, %mul3A_145 : i32
    %dma_wait3A_147 = arith.constant 0 : i32
    %dma_wait3A_148 = tpu.memref_slice %arg8[%dma_wait3A_147] : memref<12800xf32, #tpu.memory_space<vmem>> -> memref<12480xf32, #tpu.memory_space<vmem>>
    %dma_wait3A_149 = tpu.memref_slice %arg5[%mul3A_146] : memref<1000000xf32, #tpu.memory_space<vmem_shared>> -> memref<12480xf32, #tpu.memory_space<vmem_shared>>
    %dma_wait3A_150 = tpu.memref_slice %arg5[%mul3A_146] : memref<1000000xf32, #tpu.memory_space<vmem_shared>> -> memref<12480xf32, #tpu.memory_space<vmem_shared>>
    %dma_wait3A_151 = arith.constant 0 : i32
    %dma_wait3A_152 = tpu.memref_slice %arg8[%dma_wait3A_151] : memref<12800xf32, #tpu.memory_space<vmem>> -> memref<12480xf32, #tpu.memory_space<vmem>>
    tpu.wait_dma2 semaphore(%arg14 : memref<!tpu.dma_semaphore, #tpu.memory_space<semaphore_mem>>) src(%dma_wait3A_152 : memref<12480xf32, #tpu.memory_space<vmem>>) dst(%dma_wait3A_150 : memref<12480xf32, #tpu.memory_space<vmem_shared>>)
    %add3A_153 = arith.constant 64 : i32
    %add3A_154 = arith.addi %add3A_153, %arg1 : i32
    %mul3A_155 = arith.constant 12480 : i32
    %mul3A_156 = arith.muli %add3A_154, %mul3A_155 : i32
    %dma_start3A_157 = arith.constant 0 : i32
    %dma_start3A_158 = tpu.memref_slice %arg8[%dma_start3A_157] : memref<12800xf32, #tpu.memory_space<vmem>> -> memref<12480xf32, #tpu.memory_space<vmem>>
    %dma_start3A_159 = tpu.memref_slice %arg3[%mul3A_156] : memref<1000000xf32, #tpu.memory_space<hbm>> -> memref<12480xf32, #tpu.memory_space<hbm>>
    %dma_start3A_160 = arith.constant 0 : i32
    %dma_start3A_161 = tpu.memref_slice %arg8[%dma_start3A_160] : memref<12800xf32, #tpu.memory_space<vmem>> -> memref<12480xf32, #tpu.memory_space<vmem>>
    %dma_start3A_162 = tpu.memref_slice %arg3[%mul3A_156] : memref<1000000xf32, #tpu.memory_space<hbm>> -> memref<12480xf32, #tpu.memory_space<hbm>>
    tpu.enqueue_dma source(%dma_start3A_162 : memref<12480xf32, #tpu.memory_space<hbm>>) target(%dma_start3A_161 : memref<12480xf32, #tpu.memory_space<vmem>>) target_semaphore(%arg14 : memref<!tpu.dma_semaphore, #tpu.memory_space<semaphore_mem>>)
    %add3A_163 = arith.constant 64 : i32
    %add3A_164 = arith.addi %add3A_163, %arg1 : i32
    %mul3A_165 = arith.constant 12480 : i32
    %mul3A_166 = arith.muli %add3A_164, %mul3A_165 : i32
    %dma_wait3A_167 = arith.constant 0 : i32
    %dma_wait3A_168 = tpu.memref_slice %arg8[%dma_wait3A_167] : memref<12800xf32, #tpu.memory_space<vmem>> -> memref<12480xf32, #tpu.memory_space<vmem>>
    %dma_wait3A_169 = tpu.memref_slice %arg3[%mul3A_166] : memref<1000000xf32, #tpu.memory_space<hbm>> -> memref<12480xf32, #tpu.memory_space<hbm>>
    %dma_wait3A_170 = arith.constant 0 : i32
    %dma_wait3A_171 = tpu.memref_slice %arg8[%dma_wait3A_170] : memref<12800xf32, #tpu.memory_space<vmem>> -> memref<12480xf32, #tpu.memory_space<vmem>>
    %dma_wait3A_172 = tpu.memref_slice %arg3[%mul3A_166] : memref<1000000xf32, #tpu.memory_space<hbm>> -> memref<12480xf32, #tpu.memory_space<hbm>>
    tpu.wait_dma2 semaphore(%arg14 : memref<!tpu.dma_semaphore, #tpu.memory_space<semaphore_mem>>) src(%dma_wait3A_172 : memref<12480xf32, #tpu.memory_space<hbm>>) dst(%dma_wait3A_171 : memref<12480xf32, #tpu.memory_space<vmem>>)
    %add3A_173 = arith.constant 64 : i32
    %add3A_174 = arith.addi %add3A_173, %arg1 : i32
    %mul3A_175 = arith.constant 12480 : i32
    %mul3A_176 = arith.muli %add3A_174, %mul3A_175 : i32
    %dma_start3A_177 = arith.constant 0 : i32
    %dma_start3A_178 = tpu.memref_slice %arg8[%dma_start3A_177] : memref<12800xf32, #tpu.memory_space<vmem>> -> memref<12480xf32, #tpu.memory_space<vmem>>
    %dma_start3A_179 = tpu.memref_slice %arg5[%mul3A_176] : memref<1000000xf32, #tpu.memory_space<vmem_shared>> -> memref<12480xf32, #tpu.memory_space<vmem_shared>>
    %dma_start3A_180 = tpu.memref_slice %arg5[%mul3A_176] : memref<1000000xf32, #tpu.memory_space<vmem_shared>> -> memref<12480xf32, #tpu.memory_space<vmem_shared>>
    %dma_start3A_181 = arith.constant 0 : i32
    %dma_start3A_182 = tpu.memref_slice %arg8[%dma_start3A_181] : memref<12800xf32, #tpu.memory_space<vmem>> -> memref<12480xf32, #tpu.memory_space<vmem>>
    tpu.enqueue_dma source(%dma_start3A_182 : memref<12480xf32, #tpu.memory_space<vmem>>) target(%dma_start3A_180 : memref<12480xf32, #tpu.memory_space<vmem_shared>>) target_semaphore(%arg14 : memref<!tpu.dma_semaphore, #tpu.memory_space<semaphore_mem>>)
    %lt3A = arith.constant 8 : i32
    %lt3A_183 = arith.cmpi slt, %arg1, %lt3A : i32
    %convert_element_type3A = arith.extui %lt3A_183 : i1 to i32
    %cond3A = arith.constant 0 : i32
    %cond3A_184 = arith.cmpi ne, %convert_element_type3A, %cond3A : i32
    scf.if %cond3A_184 {
      %add3A_350 = arith.constant 48 : i32
      %add3A_351 = arith.addi %add3A_350, %arg1 : i32
      %mul3A_352 = arith.constant 12480 : i32
      %mul3A_353 = arith.muli %add3A_351, %mul3A_352 : i32
      %dma_wait3A_354 = arith.constant 0 : i32
      %dma_wait3A_355 = tpu.memref_slice %arg9[%dma_wait3A_354] : memref<12800xf32, #tpu.memory_space<vmem>> -> memref<12480xf32, #tpu.memory_space<vmem>>
      %dma_wait3A_356 = tpu.memref_slice %arg5[%mul3A_353] : memref<1000000xf32, #tpu.memory_space<vmem_shared>> -> memref<12480xf32, #tpu.memory_space<vmem_shared>>
      %dma_wait3A_357 = tpu.memref_slice %arg5[%mul3A_353] : memref<1000000xf32, #tpu.memory_space<vmem_shared>> -> memref<12480xf32, #tpu.memory_space<vmem_shared>>
      %dma_wait3A_358 = arith.constant 0 : i32
      %dma_wait3A_359 = tpu.memref_slice %arg9[%dma_wait3A_358] : memref<12800xf32, #tpu.memory_space<vmem>> -> memref<12480xf32, #tpu.memory_space<vmem>>
      tpu.wait_dma2 semaphore(%arg15 : memref<!tpu.dma_semaphore, #tpu.memory_space<semaphore_mem>>) src(%dma_wait3A_359 : memref<12480xf32, #tpu.memory_space<vmem>>) dst(%dma_wait3A_357 : memref<12480xf32, #tpu.memory_space<vmem_shared>>)
      %mul3A_360 = arith.constant 200 : i32
      %mul3A_361 = arith.muli %arg1, %mul3A_360 : i32
      %add3A_362 = arith.constant 998400 : i32
      %add3A_363 = arith.addi %add3A_362, %mul3A_361 : i32
      %dma_start3A_364 = arith.constant 0 : i32
      %dma_start3A_365 = tpu.memref_slice %arg9[%dma_start3A_364] : memref<12800xf32, #tpu.memory_space<vmem>> -> memref<200xf32, #tpu.memory_space<vmem>>
      %dma_start3A_366 = tpu.memref_slice %arg3[%add3A_363] : memref<1000000xf32, #tpu.memory_space<hbm>> -> memref<200xf32, #tpu.memory_space<hbm>>
      %dma_start3A_367 = arith.constant 0 : i32
      %dma_start3A_368 = tpu.memref_slice %arg9[%dma_start3A_367] : memref<12800xf32, #tpu.memory_space<vmem>> -> memref<200xf32, #tpu.memory_space<vmem>>
      %dma_start3A_369 = tpu.memref_slice %arg3[%add3A_363] : memref<1000000xf32, #tpu.memory_space<hbm>> -> memref<200xf32, #tpu.memory_space<hbm>>
      tpu.enqueue_dma source(%dma_start3A_369 : memref<200xf32, #tpu.memory_space<hbm>>) target(%dma_start3A_368 : memref<200xf32, #tpu.memory_space<vmem>>) target_semaphore(%arg15 : memref<!tpu.dma_semaphore, #tpu.memory_space<semaphore_mem>>)
    } else {
    }
    %lt3A_185 = arith.constant 8 : i32
    %lt3A_186 = arith.cmpi slt, %arg1, %lt3A_185 : i32
    %convert_element_type3A_187 = arith.extui %lt3A_186 : i1 to i32
    %cond3A_188 = arith.constant 0 : i32
    %cond3A_189 = arith.cmpi ne, %convert_element_type3A_187, %cond3A_188 : i32
    scf.if %cond3A_189 {
      %mul3A_350 = arith.constant 200 : i32
      %mul3A_351 = arith.muli %arg1, %mul3A_350 : i32
      %add3A_352 = arith.constant 998400 : i32
      %add3A_353 = arith.addi %add3A_352, %mul3A_351 : i32
      %dma_wait3A_354 = arith.constant 0 : i32
      %dma_wait3A_355 = tpu.memref_slice %arg9[%dma_wait3A_354] : memref<12800xf32, #tpu.memory_space<vmem>> -> memref<200xf32, #tpu.memory_space<vmem>>
      %dma_wait3A_356 = tpu.memref_slice %arg3[%add3A_353] : memref<1000000xf32, #tpu.memory_space<hbm>> -> memref<200xf32, #tpu.memory_space<hbm>>
      %dma_wait3A_357 = arith.constant 0 : i32
      %dma_wait3A_358 = tpu.memref_slice %arg9[%dma_wait3A_357] : memref<12800xf32, #tpu.memory_space<vmem>> -> memref<200xf32, #tpu.memory_space<vmem>>
      %dma_wait3A_359 = tpu.memref_slice %arg3[%add3A_353] : memref<1000000xf32, #tpu.memory_space<hbm>> -> memref<200xf32, #tpu.memory_space<hbm>>
      tpu.wait_dma2 semaphore(%arg15 : memref<!tpu.dma_semaphore, #tpu.memory_space<semaphore_mem>>) src(%dma_wait3A_359 : memref<200xf32, #tpu.memory_space<hbm>>) dst(%dma_wait3A_358 : memref<200xf32, #tpu.memory_space<vmem>>)
      %mul3A_360 = arith.constant 200 : i32
      %mul3A_361 = arith.muli %arg1, %mul3A_360 : i32
      %add3A_362 = arith.constant 998400 : i32
      %add3A_363 = arith.addi %add3A_362, %mul3A_361 : i32
      %dma_start3A_364 = arith.constant 0 : i32
      %dma_start3A_365 = tpu.memref_slice %arg9[%dma_start3A_364] : memref<12800xf32, #tpu.memory_space<vmem>> -> memref<200xf32, #tpu.memory_space<vmem>>
      %dma_start3A_366 = tpu.memref_slice %arg5[%add3A_363] : memref<1000000xf32, #tpu.memory_space<vmem_shared>> -> memref<200xf32, #tpu.memory_space<vmem_shared>>
      %dma_start3A_367 = tpu.memref_slice %arg5[%add3A_363] : memref<1000000xf32, #tpu.memory_space<vmem_shared>> -> memref<200xf32, #tpu.memory_space<vmem_shared>>
      %dma_start3A_368 = arith.constant 0 : i32
      %dma_start3A_369 = tpu.memref_slice %arg9[%dma_start3A_368] : memref<12800xf32, #tpu.memory_space<vmem>> -> memref<200xf32, #tpu.memory_space<vmem>>
      tpu.enqueue_dma source(%dma_start3A_369 : memref<200xf32, #tpu.memory_space<vmem>>) target(%dma_start3A_367 : memref<200xf32, #tpu.memory_space<vmem_shared>>) target_semaphore(%arg15 : memref<!tpu.dma_semaphore, #tpu.memory_space<semaphore_mem>>)
      %add3A_370 = arith.constant 64 : i32
      %add3A_371 = arith.addi %add3A_370, %arg1 : i32
      %mul3A_372 = arith.constant 12480 : i32
      %mul3A_373 = arith.muli %add3A_371, %mul3A_372 : i32
      %dma_wait3A_374 = arith.constant 0 : i32
      %dma_wait3A_375 = tpu.memref_slice %arg8[%dma_wait3A_374] : memref<12800xf32, #tpu.memory_space<vmem>> -> memref<12480xf32, #tpu.memory_space<vmem>>
      %dma_wait3A_376 = tpu.memref_slice %arg5[%mul3A_373] : memref<1000000xf32, #tpu.memory_space<vmem_shared>> -> memref<12480xf32, #tpu.memory_space<vmem_shared>>
      %dma_wait3A_377 = tpu.memref_slice %arg5[%mul3A_373] : memref<1000000xf32, #tpu.memory_space<vmem_shared>> -> memref<12480xf32, #tpu.memory_space<vmem_shared>>
      %dma_wait3A_378 = arith.constant 0 : i32
      %dma_wait3A_379 = tpu.memref_slice %arg8[%dma_wait3A_378] : memref<12800xf32, #tpu.memory_space<vmem>> -> memref<12480xf32, #tpu.memory_space<vmem>>
      tpu.wait_dma2 semaphore(%arg14 : memref<!tpu.dma_semaphore, #tpu.memory_space<semaphore_mem>>) src(%dma_wait3A_379 : memref<12480xf32, #tpu.memory_space<vmem>>) dst(%dma_wait3A_377 : memref<12480xf32, #tpu.memory_space<vmem_shared>>)
      %mul3A_380 = arith.constant 200 : i32
      %mul3A_381 = arith.muli %arg1, %mul3A_380 : i32
      %add3A_382 = arith.constant 998400 : i32
      %add3A_383 = arith.addi %add3A_382, %mul3A_381 : i32
      %dma_wait3A_384 = arith.constant 0 : i32
      %dma_wait3A_385 = tpu.memref_slice %arg9[%dma_wait3A_384] : memref<12800xf32, #tpu.memory_space<vmem>> -> memref<200xf32, #tpu.memory_space<vmem>>
      %dma_wait3A_386 = tpu.memref_slice %arg5[%add3A_383] : memref<1000000xf32, #tpu.memory_space<vmem_shared>> -> memref<200xf32, #tpu.memory_space<vmem_shared>>
      %dma_wait3A_387 = tpu.memref_slice %arg5[%add3A_383] : memref<1000000xf32, #tpu.memory_space<vmem_shared>> -> memref<200xf32, #tpu.memory_space<vmem_shared>>
      %dma_wait3A_388 = arith.constant 0 : i32
      %dma_wait3A_389 = tpu.memref_slice %arg9[%dma_wait3A_388] : memref<12800xf32, #tpu.memory_space<vmem>> -> memref<200xf32, #tpu.memory_space<vmem>>
      tpu.wait_dma2 semaphore(%arg15 : memref<!tpu.dma_semaphore, #tpu.memory_space<semaphore_mem>>) src(%dma_wait3A_389 : memref<200xf32, #tpu.memory_space<vmem>>) dst(%dma_wait3A_387 : memref<200xf32, #tpu.memory_space<vmem_shared>>)
    } else {
    }
    %ge3A = arith.constant 8 : i32
    %ge3A_190 = arith.cmpi sge, %arg1, %ge3A : i32
    %convert_element_type3A_191 = arith.extui %ge3A_190 : i1 to i32
    %cond3A_192 = arith.constant 0 : i32
    %cond3A_193 = arith.cmpi ne, %convert_element_type3A_191, %cond3A_192 : i32
    scf.if %cond3A_193 {
      %add3A_350 = arith.constant 48 : i32
      %add3A_351 = arith.addi %add3A_350, %arg1 : i32
      %mul3A_352 = arith.constant 12480 : i32
      %mul3A_353 = arith.muli %add3A_351, %mul3A_352 : i32
      %dma_wait3A_354 = arith.constant 0 : i32
      %dma_wait3A_355 = tpu.memref_slice %arg9[%dma_wait3A_354] : memref<12800xf32, #tpu.memory_space<vmem>> -> memref<12480xf32, #tpu.memory_space<vmem>>
      %dma_wait3A_356 = tpu.memref_slice %arg5[%mul3A_353] : memref<1000000xf32, #tpu.memory_space<vmem_shared>> -> memref<12480xf32, #tpu.memory_space<vmem_shared>>
      %dma_wait3A_357 = tpu.memref_slice %arg5[%mul3A_353] : memref<1000000xf32, #tpu.memory_space<vmem_shared>> -> memref<12480xf32, #tpu.memory_space<vmem_shared>>
      %dma_wait3A_358 = arith.constant 0 : i32
      %dma_wait3A_359 = tpu.memref_slice %arg9[%dma_wait3A_358] : memref<12800xf32, #tpu.memory_space<vmem>> -> memref<12480xf32, #tpu.memory_space<vmem>>
      tpu.wait_dma2 semaphore(%arg15 : memref<!tpu.dma_semaphore, #tpu.memory_space<semaphore_mem>>) src(%dma_wait3A_359 : memref<12480xf32, #tpu.memory_space<vmem>>) dst(%dma_wait3A_357 : memref<12480xf32, #tpu.memory_space<vmem_shared>>)
      %add3A_360 = arith.constant 64 : i32
      %add3A_361 = arith.addi %add3A_360, %arg1 : i32
      %mul3A_362 = arith.constant 12480 : i32
      %mul3A_363 = arith.muli %add3A_361, %mul3A_362 : i32
      %dma_wait3A_364 = arith.constant 0 : i32
      %dma_wait3A_365 = tpu.memref_slice %arg8[%dma_wait3A_364] : memref<12800xf32, #tpu.memory_space<vmem>> -> memref<12480xf32, #tpu.memory_space<vmem>>
      %dma_wait3A_366 = tpu.memref_slice %arg5[%mul3A_363] : memref<1000000xf32, #tpu.memory_space<vmem_shared>> -> memref<12480xf32, #tpu.memory_space<vmem_shared>>
      %dma_wait3A_367 = tpu.memref_slice %arg5[%mul3A_363] : memref<1000000xf32, #tpu.memory_space<vmem_shared>> -> memref<12480xf32, #tpu.memory_space<vmem_shared>>
      %dma_wait3A_368 = arith.constant 0 : i32
      %dma_wait3A_369 = tpu.memref_slice %arg8[%dma_wait3A_368] : memref<12800xf32, #tpu.memory_space<vmem>> -> memref<12480xf32, #tpu.memory_space<vmem>>
      tpu.wait_dma2 semaphore(%arg14 : memref<!tpu.dma_semaphore, #tpu.memory_space<semaphore_mem>>) src(%dma_wait3A_369 : memref<12480xf32, #tpu.memory_space<vmem>>) dst(%dma_wait3A_367 : memref<12480xf32, #tpu.memory_space<vmem_shared>>)
    } else {
    }
    %barrier3A = arith.constant 0 : index
    tpu.barrier barrier_id(%barrier3A)
    %add3A_194 = arith.constant 0 : i32
    %add3A_195 = arith.addi %mul3A_2, %add3A_194 : i32
    %dma_wait3A_196 = tpu.memref_slice %arg2[%add3A_195] : memref<3276800xi32, #tpu.memory_space<hbm>> -> memref<12800xi32, #tpu.memory_space<hbm>>
    %dma_wait3A_197 = tpu.memref_slice %arg2[%add3A_195] : memref<3276800xi32, #tpu.memory_space<hbm>> -> memref<12800xi32, #tpu.memory_space<hbm>>
    tpu.wait_dma2 semaphore(%arg10 : memref<!tpu.dma_semaphore, #tpu.memory_space<semaphore_mem>>) src(%dma_wait3A_197 : memref<12800xi32, #tpu.memory_space<hbm>>) dst(%arg6 : memref<12800xi32, #tpu.memory_space<vmem>>)
    %dma_start3A_198 = arith.constant 0 : i32
    %dma_start3A_199 = tpu.memref_slice %arg5[%dma_start3A_198] : memref<1000000xf32, #tpu.memory_space<vmem_shared>> -> memref<1000000xf32, #tpu.memory_space<vmem_shared>>
    tpu.enqueue_indirect_dma source(%dma_start3A_199 : memref<1000000xf32, #tpu.memory_space<vmem_shared>>) target(%arg8 : memref<12800xf32, #tpu.memory_space<vmem>>) offsets(%arg6 : memref<12800xi32, #tpu.memory_space<vmem>>) semaphore(%arg14 : memref<!tpu.dma_semaphore, #tpu.memory_space<semaphore_mem>>)
    %add3A_200 = arith.constant 12800 : i32
    %add3A_201 = arith.addi %mul3A_2, %add3A_200 : i32
    %dma_start3A_202 = tpu.memref_slice %arg2[%add3A_201] : memref<3276800xi32, #tpu.memory_space<hbm>> -> memref<12800xi32, #tpu.memory_space<hbm>>
    %dma_start3A_203 = tpu.memref_slice %arg2[%add3A_201] : memref<3276800xi32, #tpu.memory_space<hbm>> -> memref<12800xi32, #tpu.memory_space<hbm>>
    tpu.enqueue_dma source(%dma_start3A_203 : memref<12800xi32, #tpu.memory_space<hbm>>) target(%arg7 : memref<12800xi32, #tpu.memory_space<vmem>>) target_semaphore(%arg11 : memref<!tpu.dma_semaphore, #tpu.memory_space<semaphore_mem>>)
    %add3A_204 = arith.constant 12800 : i32
    %add3A_205 = arith.addi %mul3A_2, %add3A_204 : i32
    %dma_wait3A_206 = tpu.memref_slice %arg2[%add3A_205] : memref<3276800xi32, #tpu.memory_space<hbm>> -> memref<12800xi32, #tpu.memory_space<hbm>>
    %dma_wait3A_207 = tpu.memref_slice %arg2[%add3A_205] : memref<3276800xi32, #tpu.memory_space<hbm>> -> memref<12800xi32, #tpu.memory_space<hbm>>
    tpu.wait_dma2 semaphore(%arg11 : memref<!tpu.dma_semaphore, #tpu.memory_space<semaphore_mem>>) src(%dma_wait3A_207 : memref<12800xi32, #tpu.memory_space<hbm>>) dst(%arg7 : memref<12800xi32, #tpu.memory_space<vmem>>)
    %dma_start3A_208 = arith.constant 0 : i32
    %dma_start3A_209 = tpu.memref_slice %arg5[%dma_start3A_208] : memref<1000000xf32, #tpu.memory_space<vmem_shared>> -> memref<1000000xf32, #tpu.memory_space<vmem_shared>>
    tpu.enqueue_indirect_dma source(%dma_start3A_209 : memref<1000000xf32, #tpu.memory_space<vmem_shared>>) target(%arg9 : memref<12800xf32, #tpu.memory_space<vmem>>) offsets(%arg7 : memref<12800xi32, #tpu.memory_space<vmem>>) semaphore(%arg15 : memref<!tpu.dma_semaphore, #tpu.memory_space<semaphore_mem>>)
    %dma_wait3A_210 = arith.constant 0 : i32
    %dma_wait3A_211 = tpu.memref_slice %arg5[%dma_wait3A_210] : memref<1000000xf32, #tpu.memory_space<vmem_shared>> -> memref<1000000xf32, #tpu.memory_space<vmem_shared>>
    tpu.wait_indirect_dma semaphore(%arg14 : memref<!tpu.dma_semaphore, #tpu.memory_space<semaphore_mem>>) src(%dma_wait3A_211 : memref<1000000xf32, #tpu.memory_space<vmem_shared>>) dst(%arg8 : memref<12800xf32, #tpu.memory_space<vmem>>)
    %add3A_212 = arith.constant 0 : i32
    %add3A_213 = arith.addi %mul3A_2, %add3A_212 : i32
    %dma_start3A_214 = tpu.memref_slice %arg4[%add3A_213] : memref<3276800xf32, #tpu.memory_space<hbm>> -> memref<12800xf32, #tpu.memory_space<hbm>>
    %dma_start3A_215 = tpu.memref_slice %arg4[%add3A_213] : memref<3276800xf32, #tpu.memory_space<hbm>> -> memref<12800xf32, #tpu.memory_space<hbm>>
    tpu.enqueue_dma source(%arg8 : memref<12800xf32, #tpu.memory_space<vmem>>) target(%dma_start3A_215 : memref<12800xf32, #tpu.memory_space<hbm>>) target_semaphore(%arg12 : memref<!tpu.dma_semaphore, #tpu.memory_space<semaphore_mem>>)
    %add3A_216 = arith.constant 25600 : i32
    %add3A_217 = arith.addi %mul3A_2, %add3A_216 : i32
    %dma_start3A_218 = tpu.memref_slice %arg2[%add3A_217] : memref<3276800xi32, #tpu.memory_space<hbm>> -> memref<12800xi32, #tpu.memory_space<hbm>>
    %dma_start3A_219 = tpu.memref_slice %arg2[%add3A_217] : memref<3276800xi32, #tpu.memory_space<hbm>> -> memref<12800xi32, #tpu.memory_space<hbm>>
    tpu.enqueue_dma source(%dma_start3A_219 : memref<12800xi32, #tpu.memory_space<hbm>>) target(%arg6 : memref<12800xi32, #tpu.memory_space<vmem>>) target_semaphore(%arg10 : memref<!tpu.dma_semaphore, #tpu.memory_space<semaphore_mem>>)
    %add3A_220 = arith.constant 0 : i32
    %add3A_221 = arith.addi %mul3A_2, %add3A_220 : i32
    %dma_wait3A_222 = tpu.memref_slice %arg4[%add3A_221] : memref<3276800xf32, #tpu.memory_space<hbm>> -> memref<12800xf32, #tpu.memory_space<hbm>>
    %dma_wait3A_223 = tpu.memref_slice %arg4[%add3A_221] : memref<3276800xf32, #tpu.memory_space<hbm>> -> memref<12800xf32, #tpu.memory_space<hbm>>
    tpu.wait_dma2 semaphore(%arg12 : memref<!tpu.dma_semaphore, #tpu.memory_space<semaphore_mem>>) src(%arg8 : memref<12800xf32, #tpu.memory_space<vmem>>) dst(%dma_wait3A_223 : memref<12800xf32, #tpu.memory_space<hbm>>)
    %add3A_224 = arith.constant 25600 : i32
    %add3A_225 = arith.addi %mul3A_2, %add3A_224 : i32
    %dma_wait3A_226 = tpu.memref_slice %arg2[%add3A_225] : memref<3276800xi32, #tpu.memory_space<hbm>> -> memref<12800xi32, #tpu.memory_space<hbm>>
    %dma_wait3A_227 = tpu.memref_slice %arg2[%add3A_225] : memref<3276800xi32, #tpu.memory_space<hbm>> -> memref<12800xi32, #tpu.memory_space<hbm>>
    tpu.wait_dma2 semaphore(%arg10 : memref<!tpu.dma_semaphore, #tpu.memory_space<semaphore_mem>>) src(%dma_wait3A_227 : memref<12800xi32, #tpu.memory_space<hbm>>) dst(%arg6 : memref<12800xi32, #tpu.memory_space<vmem>>)
    %dma_start3A_228 = arith.constant 0 : i32
    %dma_start3A_229 = tpu.memref_slice %arg5[%dma_start3A_228] : memref<1000000xf32, #tpu.memory_space<vmem_shared>> -> memref<1000000xf32, #tpu.memory_space<vmem_shared>>
    tpu.enqueue_indirect_dma source(%dma_start3A_229 : memref<1000000xf32, #tpu.memory_space<vmem_shared>>) target(%arg8 : memref<12800xf32, #tpu.memory_space<vmem>>) offsets(%arg6 : memref<12800xi32, #tpu.memory_space<vmem>>) semaphore(%arg14 : memref<!tpu.dma_semaphore, #tpu.memory_space<semaphore_mem>>)
    %dma_wait3A_230 = arith.constant 0 : i32
    %dma_wait3A_231 = tpu.memref_slice %arg5[%dma_wait3A_230] : memref<1000000xf32, #tpu.memory_space<vmem_shared>> -> memref<1000000xf32, #tpu.memory_space<vmem_shared>>
    tpu.wait_indirect_dma semaphore(%arg15 : memref<!tpu.dma_semaphore, #tpu.memory_space<semaphore_mem>>) src(%dma_wait3A_231 : memref<1000000xf32, #tpu.memory_space<vmem_shared>>) dst(%arg9 : memref<12800xf32, #tpu.memory_space<vmem>>)
    %add3A_232 = arith.constant 12800 : i32
    %add3A_233 = arith.addi %mul3A_2, %add3A_232 : i32
    %dma_start3A_234 = tpu.memref_slice %arg4[%add3A_233] : memref<3276800xf32, #tpu.memory_space<hbm>> -> memref<12800xf32, #tpu.memory_space<hbm>>
    %dma_start3A_235 = tpu.memref_slice %arg4[%add3A_233] : memref<3276800xf32, #tpu.memory_space<hbm>> -> memref<12800xf32, #tpu.memory_space<hbm>>
    tpu.enqueue_dma source(%arg9 : memref<12800xf32, #tpu.memory_space<vmem>>) target(%dma_start3A_235 : memref<12800xf32, #tpu.memory_space<hbm>>) target_semaphore(%arg13 : memref<!tpu.dma_semaphore, #tpu.memory_space<semaphore_mem>>)
    %add3A_236 = arith.constant 38400 : i32
    %add3A_237 = arith.addi %mul3A_2, %add3A_236 : i32
    %dma_start3A_238 = tpu.memref_slice %arg2[%add3A_237] : memref<3276800xi32, #tpu.memory_space<hbm>> -> memref<12800xi32, #tpu.memory_space<hbm>>
    %dma_start3A_239 = tpu.memref_slice %arg2[%add3A_237] : memref<3276800xi32, #tpu.memory_space<hbm>> -> memref<12800xi32, #tpu.memory_space<hbm>>
    tpu.enqueue_dma source(%dma_start3A_239 : memref<12800xi32, #tpu.memory_space<hbm>>) target(%arg7 : memref<12800xi32, #tpu.memory_space<vmem>>) target_semaphore(%arg11 : memref<!tpu.dma_semaphore, #tpu.memory_space<semaphore_mem>>)
    %add3A_240 = arith.constant 12800 : i32
    %add3A_241 = arith.addi %mul3A_2, %add3A_240 : i32
    %dma_wait3A_242 = tpu.memref_slice %arg4[%add3A_241] : memref<3276800xf32, #tpu.memory_space<hbm>> -> memref<12800xf32, #tpu.memory_space<hbm>>
    %dma_wait3A_243 = tpu.memref_slice %arg4[%add3A_241] : memref<3276800xf32, #tpu.memory_space<hbm>> -> memref<12800xf32, #tpu.memory_space<hbm>>
    tpu.wait_dma2 semaphore(%arg13 : memref<!tpu.dma_semaphore, #tpu.memory_space<semaphore_mem>>) src(%arg9 : memref<12800xf32, #tpu.memory_space<vmem>>) dst(%dma_wait3A_243 : memref<12800xf32, #tpu.memory_space<hbm>>)
    %add3A_244 = arith.constant 38400 : i32
    %add3A_245 = arith.addi %mul3A_2, %add3A_244 : i32
    %dma_wait3A_246 = tpu.memref_slice %arg2[%add3A_245] : memref<3276800xi32, #tpu.memory_space<hbm>> -> memref<12800xi32, #tpu.memory_space<hbm>>
    %dma_wait3A_247 = tpu.memref_slice %arg2[%add3A_245] : memref<3276800xi32, #tpu.memory_space<hbm>> -> memref<12800xi32, #tpu.memory_space<hbm>>
    tpu.wait_dma2 semaphore(%arg11 : memref<!tpu.dma_semaphore, #tpu.memory_space<semaphore_mem>>) src(%dma_wait3A_247 : memref<12800xi32, #tpu.memory_space<hbm>>) dst(%arg7 : memref<12800xi32, #tpu.memory_space<vmem>>)
    %dma_start3A_248 = arith.constant 0 : i32
    %dma_start3A_249 = tpu.memref_slice %arg5[%dma_start3A_248] : memref<1000000xf32, #tpu.memory_space<vmem_shared>> -> memref<1000000xf32, #tpu.memory_space<vmem_shared>>
    tpu.enqueue_indirect_dma source(%dma_start3A_249 : memref<1000000xf32, #tpu.memory_space<vmem_shared>>) target(%arg9 : memref<12800xf32, #tpu.memory_space<vmem>>) offsets(%arg7 : memref<12800xi32, #tpu.memory_space<vmem>>) semaphore(%arg15 : memref<!tpu.dma_semaphore, #tpu.memory_space<semaphore_mem>>)
    %dma_wait3A_250 = arith.constant 0 : i32
    %dma_wait3A_251 = tpu.memref_slice %arg5[%dma_wait3A_250] : memref<1000000xf32, #tpu.memory_space<vmem_shared>> -> memref<1000000xf32, #tpu.memory_space<vmem_shared>>
    tpu.wait_indirect_dma semaphore(%arg14 : memref<!tpu.dma_semaphore, #tpu.memory_space<semaphore_mem>>) src(%dma_wait3A_251 : memref<1000000xf32, #tpu.memory_space<vmem_shared>>) dst(%arg8 : memref<12800xf32, #tpu.memory_space<vmem>>)
    %add3A_252 = arith.constant 25600 : i32
    %add3A_253 = arith.addi %mul3A_2, %add3A_252 : i32
    %dma_start3A_254 = tpu.memref_slice %arg4[%add3A_253] : memref<3276800xf32, #tpu.memory_space<hbm>> -> memref<12800xf32, #tpu.memory_space<hbm>>
    %dma_start3A_255 = tpu.memref_slice %arg4[%add3A_253] : memref<3276800xf32, #tpu.memory_space<hbm>> -> memref<12800xf32, #tpu.memory_space<hbm>>
    tpu.enqueue_dma source(%arg8 : memref<12800xf32, #tpu.memory_space<vmem>>) target(%dma_start3A_255 : memref<12800xf32, #tpu.memory_space<hbm>>) target_semaphore(%arg12 : memref<!tpu.dma_semaphore, #tpu.memory_space<semaphore_mem>>)
    %add3A_256 = arith.constant 51200 : i32
    %add3A_257 = arith.addi %mul3A_2, %add3A_256 : i32
    %dma_start3A_258 = tpu.memref_slice %arg2[%add3A_257] : memref<3276800xi32, #tpu.memory_space<hbm>> -> memref<12800xi32, #tpu.memory_space<hbm>>
    %dma_start3A_259 = tpu.memref_slice %arg2[%add3A_257] : memref<3276800xi32, #tpu.memory_space<hbm>> -> memref<12800xi32, #tpu.memory_space<hbm>>
    tpu.enqueue_dma source(%dma_start3A_259 : memref<12800xi32, #tpu.memory_space<hbm>>) target(%arg6 : memref<12800xi32, #tpu.memory_space<vmem>>) target_semaphore(%arg10 : memref<!tpu.dma_semaphore, #tpu.memory_space<semaphore_mem>>)
    %add3A_260 = arith.constant 25600 : i32
    %add3A_261 = arith.addi %mul3A_2, %add3A_260 : i32
    %dma_wait3A_262 = tpu.memref_slice %arg4[%add3A_261] : memref<3276800xf32, #tpu.memory_space<hbm>> -> memref<12800xf32, #tpu.memory_space<hbm>>
    %dma_wait3A_263 = tpu.memref_slice %arg4[%add3A_261] : memref<3276800xf32, #tpu.memory_space<hbm>> -> memref<12800xf32, #tpu.memory_space<hbm>>
    tpu.wait_dma2 semaphore(%arg12 : memref<!tpu.dma_semaphore, #tpu.memory_space<semaphore_mem>>) src(%arg8 : memref<12800xf32, #tpu.memory_space<vmem>>) dst(%dma_wait3A_263 : memref<12800xf32, #tpu.memory_space<hbm>>)
    %add3A_264 = arith.constant 51200 : i32
    %add3A_265 = arith.addi %mul3A_2, %add3A_264 : i32
    %dma_wait3A_266 = tpu.memref_slice %arg2[%add3A_265] : memref<3276800xi32, #tpu.memory_space<hbm>> -> memref<12800xi32, #tpu.memory_space<hbm>>
    %dma_wait3A_267 = tpu.memref_slice %arg2[%add3A_265] : memref<3276800xi32, #tpu.memory_space<hbm>> -> memref<12800xi32, #tpu.memory_space<hbm>>
    tpu.wait_dma2 semaphore(%arg10 : memref<!tpu.dma_semaphore, #tpu.memory_space<semaphore_mem>>) src(%dma_wait3A_267 : memref<12800xi32, #tpu.memory_space<hbm>>) dst(%arg6 : memref<12800xi32, #tpu.memory_space<vmem>>)
    %dma_start3A_268 = arith.constant 0 : i32
    %dma_start3A_269 = tpu.memref_slice %arg5[%dma_start3A_268] : memref<1000000xf32, #tpu.memory_space<vmem_shared>> -> memref<1000000xf32, #tpu.memory_space<vmem_shared>>
    tpu.enqueue_indirect_dma source(%dma_start3A_269 : memref<1000000xf32, #tpu.memory_space<vmem_shared>>) target(%arg8 : memref<12800xf32, #tpu.memory_space<vmem>>) offsets(%arg6 : memref<12800xi32, #tpu.memory_space<vmem>>) semaphore(%arg14 : memref<!tpu.dma_semaphore, #tpu.memory_space<semaphore_mem>>)
    %dma_wait3A_270 = arith.constant 0 : i32
    %dma_wait3A_271 = tpu.memref_slice %arg5[%dma_wait3A_270] : memref<1000000xf32, #tpu.memory_space<vmem_shared>> -> memref<1000000xf32, #tpu.memory_space<vmem_shared>>
    tpu.wait_indirect_dma semaphore(%arg15 : memref<!tpu.dma_semaphore, #tpu.memory_space<semaphore_mem>>) src(%dma_wait3A_271 : memref<1000000xf32, #tpu.memory_space<vmem_shared>>) dst(%arg9 : memref<12800xf32, #tpu.memory_space<vmem>>)
    %add3A_272 = arith.constant 38400 : i32
    %add3A_273 = arith.addi %mul3A_2, %add3A_272 : i32
    %dma_start3A_274 = tpu.memref_slice %arg4[%add3A_273] : memref<3276800xf32, #tpu.memory_space<hbm>> -> memref<12800xf32, #tpu.memory_space<hbm>>
    %dma_start3A_275 = tpu.memref_slice %arg4[%add3A_273] : memref<3276800xf32, #tpu.memory_space<hbm>> -> memref<12800xf32, #tpu.memory_space<hbm>>
    tpu.enqueue_dma source(%arg9 : memref<12800xf32, #tpu.memory_space<vmem>>) target(%dma_start3A_275 : memref<12800xf32, #tpu.memory_space<hbm>>) target_semaphore(%arg13 : memref<!tpu.dma_semaphore, #tpu.memory_space<semaphore_mem>>)
    %add3A_276 = arith.constant 64000 : i32
    %add3A_277 = arith.addi %mul3A_2, %add3A_276 : i32
    %dma_start3A_278 = tpu.memref_slice %arg2[%add3A_277] : memref<3276800xi32, #tpu.memory_space<hbm>> -> memref<12800xi32, #tpu.memory_space<hbm>>
    %dma_start3A_279 = tpu.memref_slice %arg2[%add3A_277] : memref<3276800xi32, #tpu.memory_space<hbm>> -> memref<12800xi32, #tpu.memory_space<hbm>>
    tpu.enqueue_dma source(%dma_start3A_279 : memref<12800xi32, #tpu.memory_space<hbm>>) target(%arg7 : memref<12800xi32, #tpu.memory_space<vmem>>) target_semaphore(%arg11 : memref<!tpu.dma_semaphore, #tpu.memory_space<semaphore_mem>>)
    %add3A_280 = arith.constant 38400 : i32
    %add3A_281 = arith.addi %mul3A_2, %add3A_280 : i32
    %dma_wait3A_282 = tpu.memref_slice %arg4[%add3A_281] : memref<3276800xf32, #tpu.memory_space<hbm>> -> memref<12800xf32, #tpu.memory_space<hbm>>
    %dma_wait3A_283 = tpu.memref_slice %arg4[%add3A_281] : memref<3276800xf32, #tpu.memory_space<hbm>> -> memref<12800xf32, #tpu.memory_space<hbm>>
    tpu.wait_dma2 semaphore(%arg13 : memref<!tpu.dma_semaphore, #tpu.memory_space<semaphore_mem>>) src(%arg9 : memref<12800xf32, #tpu.memory_space<vmem>>) dst(%dma_wait3A_283 : memref<12800xf32, #tpu.memory_space<hbm>>)
    %add3A_284 = arith.constant 64000 : i32
    %add3A_285 = arith.addi %mul3A_2, %add3A_284 : i32
    %dma_wait3A_286 = tpu.memref_slice %arg2[%add3A_285] : memref<3276800xi32, #tpu.memory_space<hbm>> -> memref<12800xi32, #tpu.memory_space<hbm>>
    %dma_wait3A_287 = tpu.memref_slice %arg2[%add3A_285] : memref<3276800xi32, #tpu.memory_space<hbm>> -> memref<12800xi32, #tpu.memory_space<hbm>>
    tpu.wait_dma2 semaphore(%arg11 : memref<!tpu.dma_semaphore, #tpu.memory_space<semaphore_mem>>) src(%dma_wait3A_287 : memref<12800xi32, #tpu.memory_space<hbm>>) dst(%arg7 : memref<12800xi32, #tpu.memory_space<vmem>>)
    %dma_start3A_288 = arith.constant 0 : i32
    %dma_start3A_289 = tpu.memref_slice %arg5[%dma_start3A_288] : memref<1000000xf32, #tpu.memory_space<vmem_shared>> -> memref<1000000xf32, #tpu.memory_space<vmem_shared>>
    tpu.enqueue_indirect_dma source(%dma_start3A_289 : memref<1000000xf32, #tpu.memory_space<vmem_shared>>) target(%arg9 : memref<12800xf32, #tpu.memory_space<vmem>>) offsets(%arg7 : memref<12800xi32, #tpu.memory_space<vmem>>) semaphore(%arg15 : memref<!tpu.dma_semaphore, #tpu.memory_space<semaphore_mem>>)
    %dma_wait3A_290 = arith.constant 0 : i32
    %dma_wait3A_291 = tpu.memref_slice %arg5[%dma_wait3A_290] : memref<1000000xf32, #tpu.memory_space<vmem_shared>> -> memref<1000000xf32, #tpu.memory_space<vmem_shared>>
    tpu.wait_indirect_dma semaphore(%arg14 : memref<!tpu.dma_semaphore, #tpu.memory_space<semaphore_mem>>) src(%dma_wait3A_291 : memref<1000000xf32, #tpu.memory_space<vmem_shared>>) dst(%arg8 : memref<12800xf32, #tpu.memory_space<vmem>>)
    %add3A_292 = arith.constant 51200 : i32
    %add3A_293 = arith.addi %mul3A_2, %add3A_292 : i32
    %dma_start3A_294 = tpu.memref_slice %arg4[%add3A_293] : memref<3276800xf32, #tpu.memory_space<hbm>> -> memref<12800xf32, #tpu.memory_space<hbm>>
    %dma_start3A_295 = tpu.memref_slice %arg4[%add3A_293] : memref<3276800xf32, #tpu.memory_space<hbm>> -> memref<12800xf32, #tpu.memory_space<hbm>>
    tpu.enqueue_dma source(%arg8 : memref<12800xf32, #tpu.memory_space<vmem>>) target(%dma_start3A_295 : memref<12800xf32, #tpu.memory_space<hbm>>) target_semaphore(%arg12 : memref<!tpu.dma_semaphore, #tpu.memory_space<semaphore_mem>>)
    %add3A_296 = arith.constant 76800 : i32
    %add3A_297 = arith.addi %mul3A_2, %add3A_296 : i32
    %dma_start3A_298 = tpu.memref_slice %arg2[%add3A_297] : memref<3276800xi32, #tpu.memory_space<hbm>> -> memref<12800xi32, #tpu.memory_space<hbm>>
    %dma_start3A_299 = tpu.memref_slice %arg2[%add3A_297] : memref<3276800xi32, #tpu.memory_space<hbm>> -> memref<12800xi32, #tpu.memory_space<hbm>>
    tpu.enqueue_dma source(%dma_start3A_299 : memref<12800xi32, #tpu.memory_space<hbm>>) target(%arg6 : memref<12800xi32, #tpu.memory_space<vmem>>) target_semaphore(%arg10 : memref<!tpu.dma_semaphore, #tpu.memory_space<semaphore_mem>>)
    %add3A_300 = arith.constant 51200 : i32
    %add3A_301 = arith.addi %mul3A_2, %add3A_300 : i32
    %dma_wait3A_302 = tpu.memref_slice %arg4[%add3A_301] : memref<3276800xf32, #tpu.memory_space<hbm>> -> memref<12800xf32, #tpu.memory_space<hbm>>
    %dma_wait3A_303 = tpu.memref_slice %arg4[%add3A_301] : memref<3276800xf32, #tpu.memory_space<hbm>> -> memref<12800xf32, #tpu.memory_space<hbm>>
    tpu.wait_dma2 semaphore(%arg12 : memref<!tpu.dma_semaphore, #tpu.memory_space<semaphore_mem>>) src(%arg8 : memref<12800xf32, #tpu.memory_space<vmem>>) dst(%dma_wait3A_303 : memref<12800xf32, #tpu.memory_space<hbm>>)
    %add3A_304 = arith.constant 76800 : i32
    %add3A_305 = arith.addi %mul3A_2, %add3A_304 : i32
    %dma_wait3A_306 = tpu.memref_slice %arg2[%add3A_305] : memref<3276800xi32, #tpu.memory_space<hbm>> -> memref<12800xi32, #tpu.memory_space<hbm>>
    %dma_wait3A_307 = tpu.memref_slice %arg2[%add3A_305] : memref<3276800xi32, #tpu.memory_space<hbm>> -> memref<12800xi32, #tpu.memory_space<hbm>>
    tpu.wait_dma2 semaphore(%arg10 : memref<!tpu.dma_semaphore, #tpu.memory_space<semaphore_mem>>) src(%dma_wait3A_307 : memref<12800xi32, #tpu.memory_space<hbm>>) dst(%arg6 : memref<12800xi32, #tpu.memory_space<vmem>>)
    %dma_start3A_308 = arith.constant 0 : i32
    %dma_start3A_309 = tpu.memref_slice %arg5[%dma_start3A_308] : memref<1000000xf32, #tpu.memory_space<vmem_shared>> -> memref<1000000xf32, #tpu.memory_space<vmem_shared>>
    tpu.enqueue_indirect_dma source(%dma_start3A_309 : memref<1000000xf32, #tpu.memory_space<vmem_shared>>) target(%arg8 : memref<12800xf32, #tpu.memory_space<vmem>>) offsets(%arg6 : memref<12800xi32, #tpu.memory_space<vmem>>) semaphore(%arg14 : memref<!tpu.dma_semaphore, #tpu.memory_space<semaphore_mem>>)
    %dma_wait3A_310 = arith.constant 0 : i32
    %dma_wait3A_311 = tpu.memref_slice %arg5[%dma_wait3A_310] : memref<1000000xf32, #tpu.memory_space<vmem_shared>> -> memref<1000000xf32, #tpu.memory_space<vmem_shared>>
    tpu.wait_indirect_dma semaphore(%arg15 : memref<!tpu.dma_semaphore, #tpu.memory_space<semaphore_mem>>) src(%dma_wait3A_311 : memref<1000000xf32, #tpu.memory_space<vmem_shared>>) dst(%arg9 : memref<12800xf32, #tpu.memory_space<vmem>>)
    %add3A_312 = arith.constant 64000 : i32
    %add3A_313 = arith.addi %mul3A_2, %add3A_312 : i32
    %dma_start3A_314 = tpu.memref_slice %arg4[%add3A_313] : memref<3276800xf32, #tpu.memory_space<hbm>> -> memref<12800xf32, #tpu.memory_space<hbm>>
    %dma_start3A_315 = tpu.memref_slice %arg4[%add3A_313] : memref<3276800xf32, #tpu.memory_space<hbm>> -> memref<12800xf32, #tpu.memory_space<hbm>>
    tpu.enqueue_dma source(%arg9 : memref<12800xf32, #tpu.memory_space<vmem>>) target(%dma_start3A_315 : memref<12800xf32, #tpu.memory_space<hbm>>) target_semaphore(%arg13 : memref<!tpu.dma_semaphore, #tpu.memory_space<semaphore_mem>>)
    %add3A_316 = arith.constant 89600 : i32
    %add3A_317 = arith.addi %mul3A_2, %add3A_316 : i32
    %dma_start3A_318 = tpu.memref_slice %arg2[%add3A_317] : memref<3276800xi32, #tpu.memory_space<hbm>> -> memref<12800xi32, #tpu.memory_space<hbm>>
    %dma_start3A_319 = tpu.memref_slice %arg2[%add3A_317] : memref<3276800xi32, #tpu.memory_space<hbm>> -> memref<12800xi32, #tpu.memory_space<hbm>>
    tpu.enqueue_dma source(%dma_start3A_319 : memref<12800xi32, #tpu.memory_space<hbm>>) target(%arg7 : memref<12800xi32, #tpu.memory_space<vmem>>) target_semaphore(%arg11 : memref<!tpu.dma_semaphore, #tpu.memory_space<semaphore_mem>>)
    %add3A_320 = arith.constant 64000 : i32
    %add3A_321 = arith.addi %mul3A_2, %add3A_320 : i32
    %dma_wait3A_322 = tpu.memref_slice %arg4[%add3A_321] : memref<3276800xf32, #tpu.memory_space<hbm>> -> memref<12800xf32, #tpu.memory_space<hbm>>
    %dma_wait3A_323 = tpu.memref_slice %arg4[%add3A_321] : memref<3276800xf32, #tpu.memory_space<hbm>> -> memref<12800xf32, #tpu.memory_space<hbm>>
    tpu.wait_dma2 semaphore(%arg13 : memref<!tpu.dma_semaphore, #tpu.memory_space<semaphore_mem>>) src(%arg9 : memref<12800xf32, #tpu.memory_space<vmem>>) dst(%dma_wait3A_323 : memref<12800xf32, #tpu.memory_space<hbm>>)
    %add3A_324 = arith.constant 89600 : i32
    %add3A_325 = arith.addi %mul3A_2, %add3A_324 : i32
    %dma_wait3A_326 = tpu.memref_slice %arg2[%add3A_325] : memref<3276800xi32, #tpu.memory_space<hbm>> -> memref<12800xi32, #tpu.memory_space<hbm>>
    %dma_wait3A_327 = tpu.memref_slice %arg2[%add3A_325] : memref<3276800xi32, #tpu.memory_space<hbm>> -> memref<12800xi32, #tpu.memory_space<hbm>>
    tpu.wait_dma2 semaphore(%arg11 : memref<!tpu.dma_semaphore, #tpu.memory_space<semaphore_mem>>) src(%dma_wait3A_327 : memref<12800xi32, #tpu.memory_space<hbm>>) dst(%arg7 : memref<12800xi32, #tpu.memory_space<vmem>>)
    %dma_start3A_328 = arith.constant 0 : i32
    %dma_start3A_329 = tpu.memref_slice %arg5[%dma_start3A_328] : memref<1000000xf32, #tpu.memory_space<vmem_shared>> -> memref<1000000xf32, #tpu.memory_space<vmem_shared>>
    tpu.enqueue_indirect_dma source(%dma_start3A_329 : memref<1000000xf32, #tpu.memory_space<vmem_shared>>) target(%arg9 : memref<12800xf32, #tpu.memory_space<vmem>>) offsets(%arg7 : memref<12800xi32, #tpu.memory_space<vmem>>) semaphore(%arg15 : memref<!tpu.dma_semaphore, #tpu.memory_space<semaphore_mem>>)
    %dma_wait3A_330 = arith.constant 0 : i32
    %dma_wait3A_331 = tpu.memref_slice %arg5[%dma_wait3A_330] : memref<1000000xf32, #tpu.memory_space<vmem_shared>> -> memref<1000000xf32, #tpu.memory_space<vmem_shared>>
    tpu.wait_indirect_dma semaphore(%arg14 : memref<!tpu.dma_semaphore, #tpu.memory_space<semaphore_mem>>) src(%dma_wait3A_331 : memref<1000000xf32, #tpu.memory_space<vmem_shared>>) dst(%arg8 : memref<12800xf32, #tpu.memory_space<vmem>>)
    %add3A_332 = arith.constant 76800 : i32
    %add3A_333 = arith.addi %mul3A_2, %add3A_332 : i32
    %dma_start3A_334 = tpu.memref_slice %arg4[%add3A_333] : memref<3276800xf32, #tpu.memory_space<hbm>> -> memref<12800xf32, #tpu.memory_space<hbm>>
    %dma_start3A_335 = tpu.memref_slice %arg4[%add3A_333] : memref<3276800xf32, #tpu.memory_space<hbm>> -> memref<12800xf32, #tpu.memory_space<hbm>>
    tpu.enqueue_dma source(%arg8 : memref<12800xf32, #tpu.memory_space<vmem>>) target(%dma_start3A_335 : memref<12800xf32, #tpu.memory_space<hbm>>) target_semaphore(%arg12 : memref<!tpu.dma_semaphore, #tpu.memory_space<semaphore_mem>>)
    %dma_wait3A_336 = arith.constant 0 : i32
    %dma_wait3A_337 = tpu.memref_slice %arg5[%dma_wait3A_336] : memref<1000000xf32, #tpu.memory_space<vmem_shared>> -> memref<1000000xf32, #tpu.memory_space<vmem_shared>>
    tpu.wait_indirect_dma semaphore(%arg15 : memref<!tpu.dma_semaphore, #tpu.memory_space<semaphore_mem>>) src(%dma_wait3A_337 : memref<1000000xf32, #tpu.memory_space<vmem_shared>>) dst(%arg9 : memref<12800xf32, #tpu.memory_space<vmem>>)
    %add3A_338 = arith.constant 89600 : i32
    %add3A_339 = arith.addi %mul3A_2, %add3A_338 : i32
    %dma_start3A_340 = tpu.memref_slice %arg4[%add3A_339] : memref<3276800xf32, #tpu.memory_space<hbm>> -> memref<12800xf32, #tpu.memory_space<hbm>>
    %dma_start3A_341 = tpu.memref_slice %arg4[%add3A_339] : memref<3276800xf32, #tpu.memory_space<hbm>> -> memref<12800xf32, #tpu.memory_space<hbm>>
    tpu.enqueue_dma source(%arg9 : memref<12800xf32, #tpu.memory_space<vmem>>) target(%dma_start3A_341 : memref<12800xf32, #tpu.memory_space<hbm>>) target_semaphore(%arg13 : memref<!tpu.dma_semaphore, #tpu.memory_space<semaphore_mem>>)
    %add3A_342 = arith.constant 76800 : i32
    %add3A_343 = arith.addi %mul3A_2, %add3A_342 : i32
    %dma_wait3A_344 = tpu.memref_slice %arg4[%add3A_343] : memref<3276800xf32, #tpu.memory_space<hbm>> -> memref<12800xf32, #tpu.memory_space<hbm>>
    %dma_wait3A_345 = tpu.memref_slice %arg4[%add3A_343] : memref<3276800xf32, #tpu.memory_space<hbm>> -> memref<12800xf32, #tpu.memory_space<hbm>>
    tpu.wait_dma2 semaphore(%arg12 : memref<!tpu.dma_semaphore, #tpu.memory_space<semaphore_mem>>) src(%arg8 : memref<12800xf32, #tpu.memory_space<vmem>>) dst(%dma_wait3A_345 : memref<12800xf32, #tpu.memory_space<hbm>>)
    %add3A_346 = arith.constant 89600 : i32
    %add3A_347 = arith.addi %mul3A_2, %add3A_346 : i32
    %dma_wait3A_348 = tpu.memref_slice %arg4[%add3A_347] : memref<3276800xf32, #tpu.memory_space<hbm>> -> memref<12800xf32, #tpu.memory_space<hbm>>
    %dma_wait3A_349 = tpu.memref_slice %arg4[%add3A_347] : memref<3276800xf32, #tpu.memory_space<hbm>> -> memref<12800xf32, #tpu.memory_space<hbm>>
    tpu.wait_dma2 semaphore(%arg13 : memref<!tpu.dma_semaphore, #tpu.memory_space<semaphore_mem>>) src(%arg9 : memref<12800xf32, #tpu.memory_space<vmem>>) dst(%dma_wait3A_349 : memref<12800xf32, #tpu.memory_space<hbm>>)
    return
  }
}

</mosaic_0001>

<sc_bundles>
// kernel: kernel.3.cloned.1.call-start
scs
__scs_entry_jumppad:
0x0: {  	(pc) =	sbr.rel $0x88, $3  }
0x1: {  	(tag) =	ssettag $0x0;
	lr =	simm.s32 $0x1  }
0x2: {  	[smem:$0x3F9F] =	sst lr;
	_ =	strace $0xD0000000  }
0x3: {  	_ = 	snop  }
0x4: {  	_ = 	snop  }
0x5: {  	_ = 	snop  }
0x6: {  	_ = 	snop  }
0x7: {  	_ = 	snop  }
__scs_overlays_trampoline_lowered:
0x8: {  	[smem:$0x3FAE] =	sst s0  }
0x9: {  	[smem:$0x3FAF] =	sst s1  }
0xa: {  	[smem:$0x3FB0] =	sst s2  }
0xb: {  	[smem:$0x3FB1] =	sst s3  }
0xc: {  	[smem:$0x3FB2] =	sst s4  }
0xd: {  	[smem:$0x3FB3] =	sst s5  }
0xe: {  	[smem:$0x3FB4] =	sst s6  }
0xf: {  	[smem:$0x3FB5] =	sst s7  }
0x10: {  	[smem:$0x3FB6] =	sst s8  }
0x11: {  	[smem:$0x3FB7] =	sst s9;
	s0 =	simm.s32 @!p0 $0x0  }
0x12: {  	s1 =	sld [smem:$0x3F9D];
	s0 =	simm.s32 @p0 $0x1  }
0x13: {  	[smem:$0x3FB8] =	sst s0;
	s0 =	simm.s32 @!p1 $0x0  }
0x14: {  	s2 =	sld [smem:$0x3F9C];
	s0 =	simm.s32 @p1 $0x1  }
0x15: {  	[smem:$0x3FB9] =	sst s0;
	s0 =	simm.s32 @!p2 $0x0  }
0x16: {  	s3 =	sld [smem:$0x3FDB];
	s0 =	simm.s32 @p2 $0x1  }
0x17: {  	s4 =	simm.s32 $0x1BF5;
	[smem:$0x3FBB] =	sst s0  }
0x18: {  	s0 =	sld [smem:$0x3F9E];
	_ =	swait.ge [sflag:s4], $0x0  }
0x19: {  	s7 =	sld [smem:$0x3F9F]  }
0x1a: {  	s8 =	sadd.s32 $0xFFFFE003, lr  }
0x1b: {  	s9 =	sadd.s32 $0xFFFFFEF7, lr;
	s5 =	simm.s32 $0xFFFFFFFF;
	p2 =	slt.u32 s8, $0xFFFFF086  }
0x1c: {  	p1 =	slt.u32 s9, $0xF7A;
	s5 =	simm.s32 @!p2 $0x0  }
0x1d: {  	s5 =	simm.s32 @p1 $0x1;
	p0 =	seq.s32 s7, s2  }
0x1e: {  	s7 =	smul.u32 @!p0 $0xF7A, s2;
	p2 =	seq.s32 @!p0 s5, $0x0  }
0x1f: {  	s9 =	smul.u32 $0xF7A, s1;
	s8 =	simm.s32 @!p0 $0x1BF5;
	p2 =	por !p2, p0  }
0x20: {  	[sflag:s8] =	ssyncset.s32 @!p0 $0xFFFFF086;
	s6 =	sadd.s32 @!p0 s3, s7;
	s7 =	simm.s32 @!p0 $0x108  }
0x21: {  	s3 =	sadd.s32 s3, s9;
	s6 =	sadd.s32 @!p0 $0x88, s6;
	s7 =	simm.s32 @p2 $0x1082  }
0x22: {  	[simem:s7], [sflag:s8] =	dma.local @!p0 [hbm:s6], $0xF7A  }
0x23: {  	s9 =	sor.u32 $0xD0000000, s2;
	s6 =	simm.s32 $0x108;
	_ =	swait.ge @!p0 [sflag:s8], $0x0  }
0x24: {  	s3 =	sadd.s32 $0x88, s3;
	s6 =	simm.s32 @!p1 $0x1082;
	[sflag:s4] =	ssyncset.s32 $0xFFFFF086  }
0x25: {  	[simem:s6], [sflag:s4] =	dma.local [hbm:s3], $0xF7A  }
0x26: {  	[smem:$0x3F9F] =	sst s1;
	(tag) =	ssettag s2;
	_ =	strace s9  }
0x27: {  	s1 =	sld [smem:$0x3FAF]  }
0x28: {  	s2 =	sld [smem:$0x3FB0]  }
0x29: {  	s4 =	sld [smem:$0x3FB2]  }
0x2a: {  	p0 =	seq.s32 s5, $0x0;
	s5 =	sld [smem:$0x3FB3]  }
0x2b: {  	s6 =	sld [smem:$0x3FB4]  }
0x2c: {  	s7 =	sld [smem:$0x3FB5]  }
0x2d: {  	s3 =	simm.s32 $0x108;
	s8 =	sld [smem:$0x3FB6]  }
0x2e: {  	s3 =	simm.s32 @!p0 $0x1082;
	s9 =	sld [smem:$0x3FB7]  }
0x2f: {  	lr =	sadd.s32 s0, s3;
	s0 =	sld [smem:$0x3FAE]  }
0x30: {  	s3 =	sld [smem:$0x3FB1]  }
0x31: {  	[smem:$0x3FBA] =	sst s10  }
0x32: {  	s10 =	sld [smem:$0x3FB8];
	_ =	sdelay $0x3  }
0x33: {  	p0 =	seq.s32 s10, $0x1;
	s10 =	sld [smem:$0x3FBA];
	_ =	sdelay $0x3  }
0x34: {  	[smem:$0x3FBA] =	sst s10  }
0x35: {  	s10 =	sld [smem:$0x3FB9];
	_ =	sdelay $0x3  }
0x36: {  	p1 =	seq.s32 s10, $0x1;
	s10 =	sld [smem:$0x3FBA];
	_ =	sdelay $0x3  }
0x37: {  	[smem:$0x3FBA] =	sst s10  }
0x38: {  	s10 =	sld [smem:$0x3FBB]  }
0x39: {  	_ = 	snop;
	(pc) =	sbr.ind lr, $3  }
0x3a: {  	_ = 	snop  }
0x3b: {  	_ = 	snop  }
0x3c: {  	p2 =	seq.s32 s10, $0x1;
	s10 =	sld [smem:$0x3FBA]  }
0x3d: {  	_ =	shalt  }
0x3e: {  	_ =	shalt  }
0x3f: {  	_ =	shalt  }
0x40: {  	_ =	shalt  }
0x41: {  	_ =	shalt  }
0x42: {  	_ =	shalt  }
0x43: {  	_ =	shalt  }
0x44: {  	_ =	shalt  }
0x45: {  	_ =	shalt  }
0x46: {  	_ =	shalt  }
0x47: {  	_ =	shalt  }
0x48: {  	_ =	shalt  }
0x49: {  	_ =	shalt  }
0x4a: {  	_ =	shalt  }
0x4b: {  	_ =	shalt  }
0x4c: {  	_ =	shalt  }
0x4d: {  	_ =	shalt  }
0x4e: {  	_ =	shalt  }
0x4f: {  	_ =	shalt  }
0x50: {  	_ =	shalt  }
0x51: {  	_ =	shalt  }
0x52: {  	_ =	shalt  }
0x53: {  	_ =	shalt  }
0x54: {  	_ =	shalt  }
0x55: {  	_ =	shalt  }
0x56: {  	_ =	shalt  }
0x57: {  	_ =	shalt  }
0x58: {  	_ =	shalt  }
0x59: {  	_ =	shalt  }
0x5a: {  	_ =	shalt  }
0x5b: {  	_ =	shalt  }
0x5c: {  	_ =	shalt  }
0x5d: {  	_ =	shalt  }
0x5e: {  	_ =	shalt  }
0x5f: {  	_ =	shalt  }
0x60: {  	_ =	shalt  }
0x61: {  	_ =	shalt  }
0x62: {  	_ =	shalt  }
0x63: {  	_ =	shalt  }
0x64: {  	_ =	shalt  }
0x65: {  	_ =	shalt  }
0x66: {  	_ =	shalt  }
0x67: {  	_ =	shalt  }
0x68: {  	_ =	shalt  }
0x69: {  	_ =	shalt  }
0x6a: {  	_ =	shalt  }
0x6b: {  	_ =	shalt  }
0x6c: {  	_ =	shalt  }
0x6d: {  	_ =	shalt  }
0x6e: {  	_ =	shalt  }
0x6f: {  	_ =	shalt  }
0x70: {  	_ =	shalt  }
0x71: {  	_ =	shalt  }
0x72: {  	_ =	shalt  }
0x73: {  	_ =	shalt  }
0x74: {  	_ =	shalt  }
0x75: {  	_ =	shalt  }
0x76: {  	_ =	shalt  }
0x77: {  	_ =	shalt  }
0x78: {  	_ =	shalt  }
0x79: {  	_ =	shalt  }
0x7a: {  	_ =	shalt  }
0x7b: {  	_ =	shalt  }
0x7c: {  	_ =	shalt  }
0x7d: {  	_ =	shalt  }
0x7e: {  	_ =	shalt  }
0x7f: {  	_ =	shalt  }
0x80: {  	_ =	shalt  }
0x81: {  	_ =	shalt  }
0x82: {  	_ =	shalt  }
0x83: {  	_ =	shalt  }
0x84: {  	_ =	shalt  }
0x85: {  	_ =	shalt  }
0x86: {  	_ =	shalt  }
0x87: {  	_ =	shalt  }
.Lfunc_end0:
.L_simem_size_0:
called_computation_lowered:
.L_overlay_start_0:
0x88: {  	s2 =	sld [smem:$0x3FD9]  }
0x89: {  	s3 =	sld [smem:$0x3FFE];
	_ =	sdelay $0x1  }
0x8a: {  	s1 =	srdreg.scid  }
0x8b: {  	s0 =	sand.u32 $0x1, s1  }
0x8c: {  	s17 =	sshll.u32 s0, $0xA;
	s2 =	sadd.s32 s3, s2  }
0x8d: {  	s2 =	sadd.s32 s2, s17  }
0x8e: {  	[smem:$0x3FC6] =	sst s2  }
0x8f: {  	_ = 	snop  }
0x90: {  	s2 =	sld [smem:$0x3FC8]  }
0x91: {  	s18 =	sld [smem:$0x3FD0];
	(tm) =	ssettm $0x1  }
0x92: {  	s4 =	sld [smem:$0x3FFB];
	_ =	sdelay $0x3  }
0x93: {  	_ =	strace s4  }
0x94: {  	s4 =	sld [smem:$0x3FFC];
	_ =	sdelay $0x3  }
0x95: {  	_ =	strace s4  }
0x96: {  	s4 =	sld [smem:$0x3FFD];
	_ =	sdelay $0x3  }
0x97: {  	_ =	strace s4  }
0x98: {  	_ =	strace $0x8FFFFFFF  }
0x99: {  	s19 =	sld [smem:$0x3FDB];
	_ =	sdelay $0x1  }
0x9a: {  	s5 =	simm.s32 $_scs_section_size  }
0x9b: {  	s6 =	simm.s32 $_size__tile_overlayer_lowered;
	s7 =	simm.s32 $_tile_overlayer_lowered  }
0x9c: {  	s22 =	simm.s32 $0x1BFF;
	s21 =	sshll.u32 s7, $0x1;
	s4 =	sadd.s32 s5, s19  }
0x9d: {  	s8 =	simm.s32 $0x0;
	s20 =	sshll.u32 s6, $0x1;
	s6 =	sadd.s32 s21, s4  }
0x9e: {  	[timem:s8], [sflag:s22] =	dma.local [hbm:s6], s20  }
0x9f: {  	_ =	swait.ge [sflag:s22], s20  }
0xa0: {  	s5 =	ssub.s32 $0x0, s20;
	[sflag:s22] =	ssyncset.done $0x0  }
0xa1: {  	[sflag:s22] =	ssyncadd.s32 s5;
	_ =	sdelay $0x1  }
0xa2: {  	s23 =	simm.s32 $0x1B8B  }
0xa3: {  	_ =	swait.ge [sflag:s23], $0x1  }
0xa4: {  	[sflag:s23] =	ssyncset.done $0x0  }
0xa5: {  	s25 =	simm.s32 $0x1B8E;
	s24 =	sld [smem:$0x3FFE];
	[sflag:s23] =	ssyncadd.s32 $0xFFFFFFFF  }
0xa6: {  	s26 =	simm.s32 $execute0_lowered;
	[smem:$0x3FD2] =	sst s25  }
0xa7: {  	s6 =	sshll.u32 s26, $0x1;
	_ =	strace $0x80000046;
	[dreg:$0x1] =	wrdreg $0xFFFFFFFF  }
0xa8: {  	s28 =	simm.s32 $_size_execute0_lowered;
	s4 =	sadd.s32 s4, s6;
	[dreg:$0x0] =	wrdreg $0x0  }
0xa9: {  	s6 =	sshll.u32 s28, $0x1;
	[dreg:$0x2] =	wrdreg s4  }
0xaa: {  	[dreg:$0x3] =	wrdreg s6  }
0xab: {  	[dreg:$0x4] =	wrdreg $0xC0  }
0xac: {  	_ =	task [dreg:s8], $0x5FFFF  }
0xad: {  	[dreg:$0x1] =	wrdreg $0xFFFFFFFF  }
0xae: {  	[dreg:$0x0] =	wrdreg $0x60  }
0xaf: {  	[dreg:$0x2] =	wrdreg s18  }
0xb0: {  	[dreg:$0x3] =	wrdreg s2  }
0xb1: {  	[dreg:$0x4] =	wrdreg s24  }
0xb2: {  	[dreg:$0x5] =	wrdreg $0x0  }
0xb3: {  	[dreg:$0x6] =	wrdreg $0x9  }
0xb4: {  	_ =	task.clear_ibuf [dreg:s8], $0x7FFFF;
	_ =	strace $0x90000046  }
0xb5: {  	s29 =	simm.s32 $0x9;
	_ =	strace $0x80000048  }
0xb6: {  	_ =	swait.ge [sflag:s29], $0x1  }
0xb7: {  	[sflag:s29] =	ssyncadd.s32 $0xFFFFFFFF  }
0xb8: {  	_ =	strace $0x90000048  }
0xb9: {  	_ =	sfence  }
0xba: {  	s30 =	sld [smem:$0x0];
	_ =	sdelay $0x2  }
0xbb: {  	s31 =	sshll.u32 s1, $0xD;
	s1 =	sshrl.u32 s1, $0x2  }
0xbc: {  	s3 =	sand.u32 $0x4000, s31;
	s1 =	sadd.s32 s1, s30  }
0xbd: {  	s0 =	sor.u32 s3, s0;
	s1 =	sshll.u32 s1, $0x11  }
0xbe: {  	s0 =	sor.u32 s1, s0  }
0xbf: {  	s0 =	sadd.s32 $0x8F2B, s0  }
0xc0: {  	[sflag:s0] =	ssyncadd.remote.s32 $0x1  }
0xc1: {  	_ =	sfence.sel $0xFFFF  }
0xc2: {  	[dreg:$0x0] =	wrdreg $0xFFFFFFFF;
	(pc) =	sbr.abs _section_cstart, $3  }
0xc3: {  	[dreg:$0x1] =	wrdreg $0xFFFFFFFF  }
0xc4: {  	_ =	task.clear_ibuf [dreg:s8], $0x2FFFF;
	_ =	strace $0x9FFFFFFF  }
0xc5: {  	(tm) =	ssettm $0x7FFFFFFF  }
tec
execute0_lowered:
.L_overlay_start_1:
0x0: {  	(tag) =	ssettag $0x1  }
0x1: {  	s0 =	rddreg [dreg:$0x0]  }
0x2: {  	s4 =	rddreg [dreg:$0x1]  }
0x3: {  	s6 =	rddreg [dreg:$0x2]  }
0x4: {  	s1 =	srdreg.scid;
	s3 =	rddreg [dreg:$0x3]  }
0x5: {  	s28 =	stileid.u32;
	s29 =	rddreg [dreg:$0x4];
	s2 =	simm.s32 $0x0  }
0x6: {  	p1 =	por $0x0, $0x0;
	s5 =	sand.u32 $0x1, s1;
	s7 =	smul.u32 $0x30C0, s28  }
0x7: {  	s21 =	sshll.u32 s28, $0x1;
	[smem:$0x7FF] =	sst s2;
	s16 =	smul.u32 $0xC8, s28  }
0x8: {  	s6 =	sadd.s32 $0x400, s6;
	p0 =	sgt.u32 s28, $0x7;
	s1 =	sor.u32 s5, s21  }
0x9: {  	_ =	strace $0x80000047;
	s5 =	ssub.s32 $0x2, s5;
	s1 =	smul.u32 $0x19000, s1  }
0xa: {  	s9 =	sshrl.u32 s7, $0x3;
	s23 =	sadd.s32 $0x30C00, s7;
	s24 =	sadd.s32 s7, s3  }
0xb: {  	s26 =	sadd.s32 $0x61800, s7;
	s14 =	sadd.s32 $0x92400, s7;
	s7 =	sadd.s32 $0xC3000, s7  }
0xc: {  	s20 =	sadd.s32 $0xF3C00, s16;
	s22 =	sadd.s32 s4, s9;
	s10 =	sshrl.u32 s23, $0x3  }
0xd: {  	[dreg:$0x7] =	wrdreg s24;
	s9 =	sadd.s32 s23, s3;
	s11 =	sshrl.u32 s26, $0x3  }
0xe: {  	s13 =	sadd.s32 s26, s3;
	s15 =	sshrl.u32 s14, $0x3;
	[dreg:$0x6] =	wrdreg s22  }
0xf: {  	s17 =	sadd.s32 s14, s3;
	s18 =	sshrl.u32 s7, $0x3;
	[dreg:$0x9] =	wrdreg s9  }
0x10: {  	s7 =	sadd.s32 s7, s3;
	s21 =	sshrl.u32 s20, $0x3;
	[dreg:$0xb] =	wrdreg s13  }
0x11: {  	s1 =	sshrl.u32 s1, $0x3;
	s25 =	sadd.s32 s4, s10;
	[dreg:$0xd] =	wrdreg s17  }
0x12: {  	s12 =	sadd.s32 s4, s11;
	s19 =	sadd.s32 s4, s18;
	[dreg:$0xf] =	wrdreg s7  }
0x13: {  	s22 =	sadd.s32 s20, s3;
	s10 =	sshrl.u32 s5, $0x1;
	[dreg:$0x8] =	wrdreg s25  }
0x14: {  	s7 =	simm.s32 $0x15828;
	s20 =	simm.s32 $0x1;
	[dreg:$0xa] =	wrdreg s12  }
0x15: {  	s8 =	sadd.s32 s0, s1;
	[dreg:$0xe] =	wrdreg s19;
	s23 =	sadd.s32 $0x640, s1  }
0x16: {  	[dreg:$0x11] =	wrdreg s22;
	s25 =	sadd.s32 s6, s1;
	s26 =	sadd.s32 $0xC80, s1  }
0x17: {  	s9 =	ssub.s32 s5, s10;
	s12 =	sadd.s32 $0x12C0, s1;
	s13 =	sadd.s32 $0x1900, s1  }
0x18: {  	s14 =	sadd.s32 $0x1F40, s1;
	s19 =	simm.s32 $0xF428;
	s10 =	simm.s32 $0x4  }
0x19: {  	[dreg:$0x5] =	wrdreg s8;
	s8 =	sadd.s32 s4, s15;
	s4 =	sadd.s32 s4, s21  }
0x1a: {  	s24 =	sadd.s32 s0, s23;
	[dreg:$0x13] =	wrdreg s25;
	s11 =	sadd.s32 s0, s26  }
0x1b: {  	s31 =	sadd.s32 s0, s12;
	s22 =	sadd.s32 s6, s26;
	s25 =	sadd.s32 s0, s13  }
0x1c: {  	s21 =	sadd.s32 s6, s12;
	s15 =	sadd.s32 $0x2580, s1;
	s18 =	sadd.s32 s6, s13  }
0x1d: {  	s1 =	sadd.s32 $0x2BC0, s1;
	s16 =	smax.u32 s9, $0x1;
	[dreg:$0xc] =	wrdreg s8  }
0x1e: {  	s5 =	sadd.s32 s6, s14;
	[dreg:$0x10] =	wrdreg s4;
	s13 =	sadd.s32 $0xFFFFFFFF, s16  }
0x1f: {  	s9 =	simm.s32 $0x5;
	[dreg:$0x12] =	wrdreg s24;
	p2 =	sne.s32 s13, $0x0  }
.Ltmp0:
0x20: {  	[dreg:$0x14] =	wrdreg s11;
	s24 =	sadd.s32 s6, s23;
	(pc) =	sbr.rel @!p2 .LBB2_1-.Ltmp0, $4  }
0x21: {  	s23 =	sadd.s32 s0, s14;
	s26 =	sadd.s32 s0, s15;
	s17 =	sadd.s32 s0, s1  }
0x22: {  	s12 =	sadd.s32 s6, s15;
	s4 =	sadd.s32 s6, s1;
	s6 =	simm.s32 $0x18A28  }
0x23: {  	s8 =	simm.s32 $0x6;
	s14 =	simm.s32 $0x3200;
	s15 =	simm.s32 $0x12628  }
0x24: {  	s16 =	simm.s32 $0x2;
	s11 =	simm.s32 $0x3;
	s30 =	rddreg [dreg:$0x5]  }
0x25: {  	[tilespmem:s19], [sflag:$0x1] =	stream.linear.gather [hbm4b:s30+s2], $0x3200, $0x38;
	[tilespmem:$0x1BC28] =	vst v63  }
0x26: {  	s1 =	rddreg [dreg:$0x6]  }
0x27: {  	[tilespmem:s7], [sflag:$0x5] =	stream.linear.gather [hbm4b:s1+s2], $0x30C0, $0x38;
	[tilespmem:$0x1BC28] =	vst v63  }
0x28: {  	_ =	swait.ge [sflag:s9], $0x30C0  }
0x29: {  	[sflag:s9] =	ssyncset.done $0x0  }
0x2a: {  	s0 =	rddreg [dreg:$0x7];
	[sflag:s9] =	ssyncadd.s32 $0xFFFFCF40  }
0x2b: {  	[spmem:s0] =	stream.linear.scatter [tilespmem:s7], [sflag:$0x5], $0x30C0, $0x38;
	[tilespmem:$0x1BC28] =	vst v63  }
0x2c: {  	s28 =	rddreg [dreg:$0x8]  }
0x2d: {  	[tilespmem:s6], [sflag:$0x6] =	stream.linear.gather [hbm4b:s28+s2], $0x30C0, $0x38;
	[tilespmem:$0x1BC28] =	vst v63  }
0x2e: {  	_ =	swait.ge [sflag:s8], $0x30C0  }
0x2f: {  	[sflag:s8] =	ssyncset.done $0x0  }
0x30: {  	s0 =	rddreg [dreg:$0x9];
	[sflag:s8] =	ssyncadd.s32 $0xFFFFCF40  }
0x31: {  	[spmem:s0] =	stream.linear.scatter [tilespmem:s6], [sflag:$0x6], $0x30C0, $0x38;
	[tilespmem:$0x1BC28] =	vst v63  }
0x32: {  	_ =	swait.ge [sflag:s9], $0x30C0  }
0x33: {  	[sflag:s9] =	ssyncset.done $0x0  }
0x34: {  	s0 =	rddreg [dreg:$0xa];
	[sflag:s9] =	ssyncadd.s32 $0xFFFFCF40  }
0x35: {  	[tilespmem:s7], [sflag:$0x5] =	stream.linear.gather [hbm4b:s0+s2], $0x30C0, $0x38;
	[tilespmem:$0x1BC28] =	vst v63  }
0x36: {  	_ =	swait.ge [sflag:s9], $0x30C0  }
0x37: {  	[sflag:s9] =	ssyncset.done $0x0  }
0x38: {  	s0 =	rddreg [dreg:$0xb];
	[sflag:s9] =	ssyncadd.s32 $0xFFFFCF40  }
0x39: {  	[spmem:s0] =	stream.linear.scatter [tilespmem:s7], [sflag:$0x5], $0x30C0, $0x38;
	[tilespmem:$0x1BC28] =	vst v63  }
0x3a: {  	_ =	swait.ge [sflag:s8], $0x30C0  }
0x3b: {  	[sflag:s8] =	ssyncset.done $0x0  }
0x3c: {  	s0 =	rddreg [dreg:$0xc];
	[sflag:s8] =	ssyncadd.s32 $0xFFFFCF40  }
0x3d: {  	[tilespmem:s6], [sflag:$0x6] =	stream.linear.gather [hbm4b:s0+s2], $0x30C0, $0x38;
	[tilespmem:$0x1BC28] =	vst v63  }
0x3e: {  	_ =	swait.ge [sflag:s8], $0x30C0  }
0x3f: {  	[sflag:s8] =	ssyncset.done $0x0  }
0x40: {  	s0 =	rddreg [dreg:$0xd];
	[sflag:s8] =	ssyncadd.s32 $0xFFFFCF40  }
0x41: {  	[spmem:s0] =	stream.linear.scatter [tilespmem:s6], [sflag:$0x6], $0x30C0, $0x38;
	[tilespmem:$0x1BC28] =	vst v63  }
0x42: {  	_ =	swait.ge [sflag:s9], $0x30C0  }
0x43: {  	[sflag:s9] =	ssyncset.done $0x0  }
0x44: {  	s0 =	rddreg [dreg:$0xe];
	[sflag:s9] =	ssyncadd.s32 $0xFFFFCF40  }
0x45: {  	[tilespmem:s7], [sflag:$0x5] =	stream.linear.gather [hbm4b:s0+s2], $0x30C0, $0x38;
	[tilespmem:$0x1BC28] =	vst v63  }
0x46: {  	_ =	swait.ge [sflag:s9], $0x30C0  }
0x47: {  	[sflag:s9] =	ssyncset.done $0x0  }
0x48: {  	s0 =	rddreg [dreg:$0xf];
	[sflag:s9] =	ssyncadd.s32 $0xFFFFCF40  }
0x49: {  	[spmem:s0] =	stream.linear.scatter [tilespmem:s7], [sflag:$0x5], $0x30C0, $0x38;
	[tilespmem:$0x1BC28] =	vst v63  }
0x4a: {  	_ =	swait.ge [sflag:s8], $0x30C0  }
0x4b: {  	[sflag:s8] =	ssyncset.done $0x0  }
0x4c: {  	s29 =	simm.s32 @!p0 $0x6;
	s28 =	simm.s32 @p0 $0x5;
	[sflag:s8] =	ssyncadd.s32 $0xFFFFCF40  }
0x4d: {  	s0 =	simm.s32 @!p0 $0x0;
	_ =	swait.ge @p0 [sflag:s28], $0x30C0;
	[dreg:$0x16] =	wrdreg s13  }
0x4e: {  	[dreg:$0x17] =	wrdreg s26;
	s26 =	smov.u32 s18;
	s18 =	smov.u32 s21  }
0x4f: {  	s21 =	smov.u32 s23;
	s23 =	smov.u32 s25;
	[sflag:s28] =	ssyncset.done @p0 $0x0  }
0x50: {  	s25 =	simm.s32 @!p0 $0x18A28;
	s1 =	rddreg [dreg:$0x10];
	[sflag:s28] =	ssyncadd.s32 @p0 $0xFFFFCF40  }
0x51: {  	[tilespmem:s25], [sflag:$0x6] =	stream.linear.gather @!p0 [hbm4b:s1+s0], $0xC8, $0x38;
	[tilespmem:$0x1BC28] =	vst v63  }
0x52: {  	_ =	swait.ge @!p0 [sflag:s29], $0xC8  }
0x53: {  	[sflag:s29] =	ssyncset.done @!p0 $0x0  }
0x54: {  	s1 =	simm.s32 @!p0 $0x5;
	s30 =	rddreg [dreg:$0x11];
	[sflag:s29] =	ssyncadd.s32 @!p0 $0xFFFFFF38  }
0x55: {  	[spmem:s30] =	stream.linear.scatter @!p0 [tilespmem:s25], [sflag:$0x6], $0xC8, $0x38;
	[tilespmem:$0x1BC28] =	vst v63  }
0x56: {  	_ =	swait.ge @!p0 [sflag:s1], $0x30C0  }
0x57: {  	[sflag:s1] =	ssyncset.done @!p0 $0x0  }
0x58: {  	[sflag:s1] =	ssyncadd.s32 @!p0 $0xFFFFCF40  }
0x59: {  	_ =	swait.ge @!p0 [sflag:s29], $0xC8  }
0x5a: {  	[sflag:s29] =	ssyncset.done @!p0 $0x0  }
0x5b: {  	[sflag:s29] =	ssyncadd.s32 @!p0 $0xFFFFFF38  }
0x5c: {  	[bflag:$0x0] =	sbarrier.arrive $0xFFFF  }
0x5d: {  	_ =	swait.ge [sflag:s20], $0x3200  }
0x5e: {  	[sflag:s20] =	ssyncset.done $0x0  }
0x5f: {  	[sflag:s20] =	ssyncadd.s32 $0xFFFFCE00  }
0x60: {  	[tilespmem:s7], [sflag:$0x5] =	stream.indirect.gather [spmem:s3], $0x1, s19, s14, $0xb8;
	[tilespmem:$0x1BC28] =	vst v63  }
0x61: {  	s30 =	rddreg [dreg:$0x12]  }
0x62: {  	[tilespmem:s15], [sflag:$0x2] =	stream.linear.gather [hbm4b:s30+s2], $0x3200, $0x38;
	[tilespmem:$0x1BC28] =	vst v63  }
0x63: {  	_ =	swait.ge [sflag:s16], $0x3200  }
0x64: {  	[sflag:s16] =	ssyncset.done $0x0  }
0x65: {  	[sflag:s16] =	ssyncadd.s32 $0xFFFFCE00  }
0x66: {  	[tilespmem:s6], [sflag:$0x6] =	stream.indirect.gather [spmem:s3], $0x1, s15, s14, $0xb8;
	[tilespmem:$0x1BC28] =	vst v63  }
0x67: {  	_ =	swait.ge [sflag:s9], $0x3200  }
0x68: {  	[sflag:s9] =	ssyncset.done $0x0  }
0x69: {  	s30 =	rddreg [dreg:$0x13];
	[sflag:s9] =	ssyncadd.s32 $0xFFFFCE00  }
0x6a: {  	[hbm4b:s30+s2] =	stream.linear.scatter [tilespmem:s7], [sflag:$0x3], $0x3200, $0x38;
	[tilespmem:$0x1BC28] =	vst v63  }
0x6b: {  	s25 =	rddreg [dreg:$0x14]  }
0x6c: {  	[tilespmem:s19], [sflag:$0x1] =	stream.linear.gather [hbm4b:s25+s2], $0x3200, $0x38;
	[tilespmem:$0x1BC28] =	vst v63  }
0x6d: {  	_ =	swait.ge [sflag:s11], $0x3200  }
0x6e: {  	[sflag:s11] =	ssyncset.done $0x0  }
0x6f: {  	[sflag:s11] =	ssyncadd.s32 $0xFFFFCE00  }
0x70: {  	_ =	swait.ge [sflag:s20], $0x3200  }
0x71: {  	[sflag:s20] =	ssyncset.done $0x0  }
0x72: {  	[sflag:s20] =	ssyncadd.s32 $0xFFFFCE00  }
0x73: {  	[tilespmem:s7], [sflag:$0x5] =	stream.indirect.gather [spmem:s3], $0x1, s19, s14, $0xb8;
	[tilespmem:$0x1BC28] =	vst v63  }
0x74: {  	_ =	swait.ge [sflag:s8], $0x3200  }
0x75: {  	[sflag:s8] =	ssyncset.done $0x0  }
0x76: {  	[sflag:s8] =	ssyncadd.s32 $0xFFFFCE00  }
0x77: {  	[hbm4b:s24+s2] =	stream.linear.scatter [tilespmem:s6], [sflag:$0x4], $0x3200, $0x38;
	[tilespmem:$0x1BC28] =	vst v63  }
0x78: {  	[dreg:$0x15] =	wrdreg s24  }
0x79: {  	[tilespmem:s15], [sflag:$0x2] =	stream.linear.gather [hbm4b:s31+s2], $0x3200, $0x38;
	[tilespmem:$0x1BC28] =	vst v63  }
0x7a: {  	_ =	swait.ge [sflag:s10], $0x3200  }
0x7b: {  	[sflag:s10] =	ssyncset.done $0x0  }
0x7c: {  	[sflag:s10] =	ssyncadd.s32 $0xFFFFCE00  }
0x7d: {  	_ =	swait.ge [sflag:s16], $0x3200  }
0x7e: {  	[sflag:s16] =	ssyncset.done $0x0  }
0x7f: {  	[sflag:s16] =	ssyncadd.s32 $0xFFFFCE00  }
0x80: {  	[tilespmem:s6], [sflag:$0x6] =	stream.indirect.gather [spmem:s3], $0x1, s15, s14, $0xb8;
	[tilespmem:$0x1BC28] =	vst v63  }
0x81: {  	_ =	swait.ge [sflag:s9], $0x3200  }
0x82: {  	[sflag:s9] =	ssyncset.done $0x0  }
0x83: {  	[sflag:s9] =	ssyncadd.s32 $0xFFFFCE00  }
0x84: {  	[hbm4b:s22+s2] =	stream.linear.scatter [tilespmem:s7], [sflag:$0x3], $0x3200, $0x38;
	[tilespmem:$0x1BC28] =	vst v63  }
0x85: {  	_ = 	snop  }
0x86: {  	[tilespmem:s19], [sflag:$0x1] =	stream.linear.gather [hbm4b:s23+s2], $0x3200, $0x38;
	[tilespmem:$0x1BC28] =	vst v63  }
0x87: {  	_ =	swait.ge [sflag:s11], $0x3200  }
0x88: {  	[sflag:s11] =	ssyncset.done $0x0  }
0x89: {  	[sflag:s11] =	ssyncadd.s32 $0xFFFFCE00  }
0x8a: {  	_ =	swait.ge [sflag:s20], $0x3200  }
0x8b: {  	[sflag:s20] =	ssyncset.done $0x0  }
0x8c: {  	[sflag:s20] =	ssyncadd.s32 $0xFFFFCE00  }
0x8d: {  	[tilespmem:s7], [sflag:$0x5] =	stream.indirect.gather [spmem:s3], $0x1, s19, s14, $0xb8;
	[tilespmem:$0x1BC28] =	vst v63  }
0x8e: {  	_ =	swait.ge [sflag:s8], $0x3200  }
0x8f: {  	[sflag:s8] =	ssyncset.done $0x0  }
0x90: {  	[sflag:s8] =	ssyncadd.s32 $0xFFFFCE00  }
0x91: {  	[hbm4b:s18+s2] =	stream.linear.scatter [tilespmem:s6], [sflag:$0x4], $0x3200, $0x38;
	[tilespmem:$0x1BC28] =	vst v63  }
0x92: {  	_ = 	snop  }
0x93: {  	[tilespmem:s15], [sflag:$0x2] =	stream.linear.gather [hbm4b:s21+s2], $0x3200, $0x38;
	[tilespmem:$0x1BC28] =	vst v63  }
0x94: {  	_ =	swait.ge [sflag:s10], $0x3200  }
0x95: {  	[sflag:s10] =	ssyncset.done $0x0  }
0x96: {  	[sflag:s10] =	ssyncadd.s32 $0xFFFFCE00  }
0x97: {  	_ =	swait.ge [sflag:s16], $0x3200  }
0x98: {  	[sflag:s16] =	ssyncset.done $0x0  }
0x99: {  	[sflag:s16] =	ssyncadd.s32 $0xFFFFCE00  }
0x9a: {  	[tilespmem:s6], [sflag:$0x6] =	stream.indirect.gather [spmem:s3], $0x1, s15, s14, $0xb8;
	[tilespmem:$0x1BC28] =	vst v63  }
0x9b: {  	_ =	swait.ge [sflag:s9], $0x3200  }
0x9c: {  	[sflag:s9] =	ssyncset.done $0x0  }
0x9d: {  	[sflag:s9] =	ssyncadd.s32 $0xFFFFCE00  }
0x9e: {  	[hbm4b:s26+s2] =	stream.linear.scatter [tilespmem:s7], [sflag:$0x3], $0x3200, $0x38;
	[tilespmem:$0x1BC28] =	vst v63  }
0x9f: {  	s25 =	smov.u32 s23;
	s23 =	smov.u32 s21;
	s21 =	rddreg [dreg:$0x17]  }
0xa0: {  	[tilespmem:s19], [sflag:$0x1] =	stream.linear.gather [hbm4b:s21+s2], $0x3200, $0x38;
	[tilespmem:$0x1BC28] =	vst v63  }
0xa1: {  	_ =	swait.ge [sflag:s11], $0x3200  }
0xa2: {  	[sflag:s11] =	ssyncset.done $0x0  }
0xa3: {  	[sflag:s11] =	ssyncadd.s32 $0xFFFFCE00  }
0xa4: {  	_ =	swait.ge [sflag:s20], $0x3200  }
0xa5: {  	[sflag:s20] =	ssyncset.done $0x0  }
0xa6: {  	[sflag:s20] =	ssyncadd.s32 $0xFFFFCE00  }
0xa7: {  	[tilespmem:s7], [sflag:$0x5] =	stream.indirect.gather [spmem:s3], $0x1, s19, s14, $0xb8;
	[tilespmem:$0x1BC28] =	vst v63  }
0xa8: {  	_ =	swait.ge [sflag:s8], $0x3200  }
0xa9: {  	[sflag:s8] =	ssyncset.done $0x0  }
0xaa: {  	[sflag:s8] =	ssyncadd.s32 $0xFFFFCE00  }
0xab: {  	[hbm4b:s5+s2] =	stream.linear.scatter [tilespmem:s6], [sflag:$0x4], $0x3200, $0x38;
	[tilespmem:$0x1BC28] =	vst v63  }
0xac: {  	_ = 	snop  }
0xad: {  	[tilespmem:s15], [sflag:$0x2] =	stream.linear.gather [hbm4b:s17+s2], $0x3200, $0x38;
	[tilespmem:$0x1BC28] =	vst v63  }
0xae: {  	_ =	swait.ge [sflag:s10], $0x3200  }
0xaf: {  	[sflag:s10] =	ssyncset.done $0x0  }
0xb0: {  	[sflag:s10] =	ssyncadd.s32 $0xFFFFCE00  }
0xb1: {  	_ =	swait.ge [sflag:s16], $0x3200  }
0xb2: {  	[sflag:s16] =	ssyncset.done $0x0  }
0xb3: {  	[sflag:s16] =	ssyncadd.s32 $0xFFFFCE00  }
0xb4: {  	[tilespmem:s6], [sflag:$0x6] =	stream.indirect.gather [spmem:s3], $0x1, s15, s14, $0xb8;
	[tilespmem:$0x1BC28] =	vst v63  }
0xb5: {  	_ =	swait.ge [sflag:s9], $0x3200  }
0xb6: {  	[sflag:s9] =	ssyncset.done $0x0  }
0xb7: {  	[sflag:s9] =	ssyncadd.s32 $0xFFFFCE00  }
0xb8: {  	[hbm4b:s12+s2] =	stream.linear.scatter [tilespmem:s7], [sflag:$0x3], $0x3200, $0x38;
	[tilespmem:$0x1BC28] =	vst v63  }
0xb9: {  	_ =	swait.ge [sflag:s8], $0x3200  }
0xba: {  	[sflag:s8] =	ssyncset.done $0x0  }
0xbb: {  	[sflag:s8] =	ssyncadd.s32 $0xFFFFCE00  }
0xbc: {  	[hbm4b:s4+s2] =	stream.linear.scatter [tilespmem:s6], [sflag:$0x4], $0x3200, $0x38;
	[tilespmem:$0x1BC28] =	vst v63  }
0xbd: {  	_ =	swait.ge [sflag:s11], $0x3200  }
0xbe: {  	s24 =	smov.u32 s22;
	s22 =	smov.u32 s18;
	s18 =	rddreg [dreg:$0x16]  }
0xbf: {  	s0 =	sadd.s32 $0xFFFFFFFF, s18  }
0xc0: {  	p2 =	sne.s32 s0, $0x0  }
.Ltmp1:
0xc1: {  	_ = 	snop;
	(pc) =	sbr.rel @!p2 .LBB2_3-.Ltmp1, $4  }
0xc2: {  	[sflag:s11] =	ssyncset.done $0x0  }
0xc3: {  	[sflag:s11] =	ssyncadd.s32 $0xFFFFCE00  }
0xc4: {  	p1 =	por $0x1, $0x1;
	s13 =	smov.u32 s5;
	_ =	swait.ge [sflag:s10], $0x3200  }
0xc5: {  	s18 =	smov.u32 s26;
	s30 =	rddreg [dreg:$0x5];
	[sflag:s10] =	ssyncset.done $0x0  }
.LBB2_4:
0xc6: {  	[sflag:s10] =	ssyncadd.s32 $0xFFFFCE00  }
0xc7: {  	[tilespmem:s19], [sflag:$0x1] =	stream.linear.gather [hbm4b:s30+s2], $0x3200, $0x38;
	[tilespmem:$0x1BC28] =	vst v63  }
0xc8: {  	s26 =	rddreg [dreg:$0x6]  }
0xc9: {  	[tilespmem:s7], [sflag:$0x5] =	stream.linear.gather [hbm4b:s26+s2], $0x30C0, $0x38;
	[tilespmem:$0x1BC28] =	vst v63  }
0xca: {  	_ =	swait.ge [sflag:s9], $0x30C0  }
0xcb: {  	[sflag:s9] =	ssyncset.done $0x0  }
0xcc: {  	s26 =	rddreg [dreg:$0x7];
	[sflag:s9] =	ssyncadd.s32 $0xFFFFCF40  }
0xcd: {  	[spmem:s26] =	stream.linear.scatter [tilespmem:s7], [sflag:$0x5], $0x30C0, $0x38;
	[tilespmem:$0x1BC28] =	vst v63  }
0xce: {  	s30 =	rddreg [dreg:$0x8]  }
0xcf: {  	[tilespmem:s6], [sflag:$0x6] =	stream.linear.gather [hbm4b:s30+s2], $0x30C0, $0x38;
	[tilespmem:$0x1BC28] =	vst v63  }
0xd0: {  	_ =	swait.ge [sflag:s8], $0x30C0  }
0xd1: {  	[sflag:s8] =	ssyncset.done $0x0  }
0xd2: {  	s26 =	rddreg [dreg:$0x9];
	[sflag:s8] =	ssyncadd.s32 $0xFFFFCF40  }
0xd3: {  	[spmem:s26] =	stream.linear.scatter [tilespmem:s6], [sflag:$0x6], $0x30C0, $0x38;
	[tilespmem:$0x1BC28] =	vst v63  }
0xd4: {  	_ =	swait.ge [sflag:s9], $0x30C0  }
0xd5: {  	[sflag:s9] =	ssyncset.done $0x0  }
0xd6: {  	s26 =	rddreg [dreg:$0xa];
	[sflag:s9] =	ssyncadd.s32 $0xFFFFCF40  }
0xd7: {  	[tilespmem:s7], [sflag:$0x5] =	stream.linear.gather [hbm4b:s26+s2], $0x30C0, $0x38;
	[tilespmem:$0x1BC28] =	vst v63  }
0xd8: {  	_ =	swait.ge [sflag:s9], $0x30C0  }
0xd9: {  	[sflag:s9] =	ssyncset.done $0x0  }
0xda: {  	s26 =	rddreg [dreg:$0xb];
	[sflag:s9] =	ssyncadd.s32 $0xFFFFCF40  }
0xdb: {  	[spmem:s26] =	stream.linear.scatter [tilespmem:s7], [sflag:$0x5], $0x30C0, $0x38;
	[tilespmem:$0x1BC28] =	vst v63  }
0xdc: {  	_ =	swait.ge [sflag:s8], $0x30C0  }
0xdd: {  	[sflag:s8] =	ssyncset.done $0x0  }
0xde: {  	s26 =	rddreg [dreg:$0xc];
	[sflag:s8] =	ssyncadd.s32 $0xFFFFCF40  }
0xdf: {  	[tilespmem:s6], [sflag:$0x6] =	stream.linear.gather [hbm4b:s26+s2], $0x30C0, $0x38;
	[tilespmem:$0x1BC28] =	vst v63  }
0xe0: {  	_ =	swait.ge [sflag:s8], $0x30C0  }
0xe1: {  	[sflag:s8] =	ssyncset.done $0x0  }
0xe2: {  	s26 =	rddreg [dreg:$0xd];
	[sflag:s8] =	ssyncadd.s32 $0xFFFFCF40  }
0xe3: {  	[spmem:s26] =	stream.linear.scatter [tilespmem:s6], [sflag:$0x6], $0x30C0, $0x38;
	[tilespmem:$0x1BC28] =	vst v63  }
0xe4: {  	_ =	swait.ge [sflag:s9], $0x30C0  }
0xe5: {  	[sflag:s9] =	ssyncset.done $0x0  }
0xe6: {  	s26 =	rddreg [dreg:$0xe];
	[sflag:s9] =	ssyncadd.s32 $0xFFFFCF40  }
0xe7: {  	[tilespmem:s7], [sflag:$0x5] =	stream.linear.gather [hbm4b:s26+s2], $0x30C0, $0x38;
	[tilespmem:$0x1BC28] =	vst v63  }
0xe8: {  	_ =	swait.ge [sflag:s9], $0x30C0  }
0xe9: {  	[sflag:s9] =	ssyncset.done $0x0  }
0xea: {  	s26 =	rddreg [dreg:$0xf];
	[sflag:s9] =	ssyncadd.s32 $0xFFFFCF40  }
0xeb: {  	[spmem:s26] =	stream.linear.scatter [tilespmem:s7], [sflag:$0x5], $0x30C0, $0x38;
	[tilespmem:$0x1BC28] =	vst v63  }
0xec: {  	_ =	swait.ge [sflag:s8], $0x30C0  }
0xed: {  	[sflag:s8] =	ssyncset.done $0x0  }
0xee: {  	[sflag:s8] =	ssyncadd.s32 $0xFFFFCF40  }
0xef: {  	_ =	swait.ge @p0 [sflag:s28], $0x30C0  }
0xf0: {  	s5 =	smov.u32 s4;
	s30 =	simm.s32 @!p0 $0x0;
	[sflag:s28] =	ssyncset.done @p0 $0x0  }
0xf1: {  	s26 =	simm.s32 @!p0 $0x18A28;
	s4 =	rddreg [dreg:$0x10];
	[sflag:s28] =	ssyncadd.s32 @p0 $0xFFFFCF40  }
0xf2: {  	[tilespmem:s26], [sflag:$0x6] =	stream.linear.gather @!p0 [hbm4b:s4+s30], $0xC8, $0x38;
	[tilespmem:$0x1BC28] =	vst v63  }
0xf3: {  	_ =	swait.ge @!p0 [sflag:s29], $0xC8  }
0xf4: {  	[sflag:s29] =	ssyncset.done @!p0 $0x0  }
0xf5: {  	s4 =	rddreg [dreg:$0x11];
	[sflag:s29] =	ssyncadd.s32 @!p0 $0xFFFFFF38  }
0xf6: {  	[spmem:s4] =	stream.linear.scatter @!p0 [tilespmem:s26], [sflag:$0x6], $0xC8, $0x38;
	[tilespmem:$0x1BC28] =	vst v63  }
0xf7: {  	_ =	swait.ge @!p0 [sflag:s1], $0x30C0  }
0xf8: {  	[sflag:s1] =	ssyncset.done @!p0 $0x0  }
0xf9: {  	[sflag:s1] =	ssyncadd.s32 @!p0 $0xFFFFCF40  }
0xfa: {  	_ =	swait.ge @!p0 [sflag:s29], $0xC8  }
0xfb: {  	[sflag:s29] =	ssyncset.done @!p0 $0x0  }
0xfc: {  	[sflag:s29] =	ssyncadd.s32 @!p0 $0xFFFFFF38  }
0xfd: {  	[bflag:$0x0] =	sbarrier.arrive $0xFFFF  }
0xfe: {  	_ =	swait.ge [sflag:s20], $0x3200  }
0xff: {  	[sflag:s20] =	ssyncset.done $0x0  }
0x100: {  	[sflag:s20] =	ssyncadd.s32 $0xFFFFCE00  }
0x101: {  	[tilespmem:s7], [sflag:$0x5] =	stream.indirect.gather [spmem:s3], $0x1, s19, s14, $0xb8;
	[tilespmem:$0x1BC28] =	vst v63  }
0x102: {  	s26 =	rddreg [dreg:$0x12]  }
0x103: {  	[tilespmem:s15], [sflag:$0x2] =	stream.linear.gather [hbm4b:s26+s2], $0x3200, $0x38;
	[tilespmem:$0x1BC28] =	vst v63  }
0x104: {  	_ =	swait.ge [sflag:s16], $0x3200  }
0x105: {  	[sflag:s16] =	ssyncset.done $0x0  }
0x106: {  	[sflag:s16] =	ssyncadd.s32 $0xFFFFCE00  }
0x107: {  	[tilespmem:s6], [sflag:$0x6] =	stream.indirect.gather [spmem:s3], $0x1, s15, s14, $0xb8;
	[tilespmem:$0x1BC28] =	vst v63  }
0x108: {  	_ =	swait.ge [sflag:s9], $0x3200  }
0x109: {  	[sflag:s9] =	ssyncset.done $0x0  }
0x10a: {  	s26 =	rddreg [dreg:$0x13];
	[sflag:s9] =	ssyncadd.s32 $0xFFFFCE00  }
0x10b: {  	[hbm4b:s26+s2] =	stream.linear.scatter [tilespmem:s7], [sflag:$0x3], $0x3200, $0x38;
	[tilespmem:$0x1BC28] =	vst v63  }
0x10c: {  	s30 =	rddreg [dreg:$0x14]  }
0x10d: {  	[tilespmem:s19], [sflag:$0x1] =	stream.linear.gather [hbm4b:s30+s2], $0x3200, $0x38;
	[tilespmem:$0x1BC28] =	vst v63  }
0x10e: {  	_ =	swait.ge [sflag:s11], $0x3200  }
0x10f: {  	[sflag:s11] =	ssyncset.done $0x0  }
0x110: {  	[sflag:s11] =	ssyncadd.s32 $0xFFFFCE00  }
0x111: {  	_ =	swait.ge [sflag:s20], $0x3200  }
0x112: {  	[sflag:s20] =	ssyncset.done $0x0  }
0x113: {  	[sflag:s20] =	ssyncadd.s32 $0xFFFFCE00  }
0x114: {  	[tilespmem:s7], [sflag:$0x5] =	stream.indirect.gather [spmem:s3], $0x1, s19, s14, $0xb8;
	[tilespmem:$0x1BC28] =	vst v63  }
0x115: {  	_ =	swait.ge [sflag:s8], $0x3200  }
0x116: {  	[sflag:s8] =	ssyncset.done $0x0  }
0x117: {  	s26 =	rddreg [dreg:$0x15];
	[sflag:s8] =	ssyncadd.s32 $0xFFFFCE00  }
0x118: {  	[hbm4b:s26+s2] =	stream.linear.scatter [tilespmem:s6], [sflag:$0x4], $0x3200, $0x38;
	[tilespmem:$0x1BC28] =	vst v63  }
0x119: {  	_ = 	snop  }
0x11a: {  	[tilespmem:s15], [sflag:$0x2] =	stream.linear.gather [hbm4b:s31+s2], $0x3200, $0x38;
	[tilespmem:$0x1BC28] =	vst v63  }
0x11b: {  	_ =	swait.ge [sflag:s10], $0x3200  }
0x11c: {  	[sflag:s10] =	ssyncset.done $0x0  }
0x11d: {  	[sflag:s10] =	ssyncadd.s32 $0xFFFFCE00  }
0x11e: {  	_ =	swait.ge [sflag:s16], $0x3200  }
0x11f: {  	[sflag:s16] =	ssyncset.done $0x0  }
0x120: {  	[sflag:s16] =	ssyncadd.s32 $0xFFFFCE00  }
0x121: {  	[tilespmem:s6], [sflag:$0x6] =	stream.indirect.gather [spmem:s3], $0x1, s15, s14, $0xb8;
	[tilespmem:$0x1BC28] =	vst v63  }
0x122: {  	_ =	swait.ge [sflag:s9], $0x3200  }
0x123: {  	[sflag:s9] =	ssyncset.done $0x0  }
0x124: {  	[sflag:s9] =	ssyncadd.s32 $0xFFFFCE00  }
0x125: {  	[hbm4b:s24+s2] =	stream.linear.scatter [tilespmem:s7], [sflag:$0x3], $0x3200, $0x38;
	[tilespmem:$0x1BC28] =	vst v63  }
0x126: {  	_ = 	snop  }
0x127: {  	[tilespmem:s19], [sflag:$0x1] =	stream.linear.gather [hbm4b:s25+s2], $0x3200, $0x38;
	[tilespmem:$0x1BC28] =	vst v63  }
0x128: {  	_ =	swait.ge [sflag:s11], $0x3200  }
0x129: {  	[sflag:s11] =	ssyncset.done $0x0  }
0x12a: {  	[sflag:s11] =	ssyncadd.s32 $0xFFFFCE00  }
0x12b: {  	_ =	swait.ge [sflag:s20], $0x3200  }
0x12c: {  	[sflag:s20] =	ssyncset.done $0x0  }
0x12d: {  	[sflag:s20] =	ssyncadd.s32 $0xFFFFCE00  }
0x12e: {  	[tilespmem:s7], [sflag:$0x5] =	stream.indirect.gather [spmem:s3], $0x1, s19, s14, $0xb8;
	[tilespmem:$0x1BC28] =	vst v63  }
0x12f: {  	_ =	swait.ge [sflag:s8], $0x3200  }
0x130: {  	[sflag:s8] =	ssyncset.done $0x0  }
0x131: {  	[sflag:s8] =	ssyncadd.s32 $0xFFFFCE00  }
0x132: {  	[hbm4b:s22+s2] =	stream.linear.scatter [tilespmem:s6], [sflag:$0x4], $0x3200, $0x38;
	[tilespmem:$0x1BC28] =	vst v63  }
0x133: {  	_ = 	snop  }
0x134: {  	[tilespmem:s15], [sflag:$0x2] =	stream.linear.gather [hbm4b:s23+s2], $0x3200, $0x38;
	[tilespmem:$0x1BC28] =	vst v63  }
0x135: {  	_ =	swait.ge [sflag:s10], $0x3200  }
0x136: {  	[sflag:s10] =	ssyncset.done $0x0  }
0x137: {  	[sflag:s10] =	ssyncadd.s32 $0xFFFFCE00  }
0x138: {  	_ =	swait.ge [sflag:s16], $0x3200  }
0x139: {  	[sflag:s16] =	ssyncset.done $0x0  }
0x13a: {  	[sflag:s16] =	ssyncadd.s32 $0xFFFFCE00  }
0x13b: {  	[tilespmem:s6], [sflag:$0x6] =	stream.indirect.gather [spmem:s3], $0x1, s15, s14, $0xb8;
	[tilespmem:$0x1BC28] =	vst v63  }
0x13c: {  	_ =	swait.ge [sflag:s9], $0x3200  }
0x13d: {  	[sflag:s9] =	ssyncset.done $0x0  }
0x13e: {  	[sflag:s9] =	ssyncadd.s32 $0xFFFFCE00  }
0x13f: {  	[hbm4b:s18+s2] =	stream.linear.scatter [tilespmem:s7], [sflag:$0x3], $0x3200, $0x38;
	[tilespmem:$0x1BC28] =	vst v63  }
0x140: {  	_ = 	snop  }
0x141: {  	[tilespmem:s19], [sflag:$0x1] =	stream.linear.gather [hbm4b:s21+s2], $0x3200, $0x38;
	[tilespmem:$0x1BC28] =	vst v63  }
0x142: {  	_ =	swait.ge [sflag:s11], $0x3200  }
0x143: {  	[sflag:s11] =	ssyncset.done $0x0  }
0x144: {  	[sflag:s11] =	ssyncadd.s32 $0xFFFFCE00  }
0x145: {  	_ =	swait.ge [sflag:s20], $0x3200  }
0x146: {  	[sflag:s20] =	ssyncset.done $0x0  }
0x147: {  	[sflag:s20] =	ssyncadd.s32 $0xFFFFCE00  }
0x148: {  	[tilespmem:s7], [sflag:$0x5] =	stream.indirect.gather [spmem:s3], $0x1, s19, s14, $0xb8;
	[tilespmem:$0x1BC28] =	vst v63  }
0x149: {  	_ =	swait.ge [sflag:s8], $0x3200  }
0x14a: {  	[sflag:s8] =	ssyncset.done $0x0  }
0x14b: {  	[sflag:s8] =	ssyncadd.s32 $0xFFFFCE00  }
0x14c: {  	[hbm4b:s13+s2] =	stream.linear.scatter [tilespmem:s6], [sflag:$0x4], $0x3200, $0x38;
	[tilespmem:$0x1BC28] =	vst v63  }
0x14d: {  	_ = 	snop  }
0x14e: {  	[tilespmem:s15], [sflag:$0x2] =	stream.linear.gather [hbm4b:s17+s2], $0x3200, $0x38;
	[tilespmem:$0x1BC28] =	vst v63  }
0x14f: {  	_ =	swait.ge [sflag:s10], $0x3200  }
0x150: {  	[sflag:s10] =	ssyncset.done $0x0  }
0x151: {  	[sflag:s10] =	ssyncadd.s32 $0xFFFFCE00  }
0x152: {  	_ =	swait.ge [sflag:s16], $0x3200  }
0x153: {  	[sflag:s16] =	ssyncset.done $0x0  }
0x154: {  	[sflag:s16] =	ssyncadd.s32 $0xFFFFCE00  }
0x155: {  	[tilespmem:s6], [sflag:$0x6] =	stream.indirect.gather [spmem:s3], $0x1, s15, s14, $0xb8;
	[tilespmem:$0x1BC28] =	vst v63  }
0x156: {  	_ =	swait.ge [sflag:s9], $0x3200  }
0x157: {  	[sflag:s9] =	ssyncset.done $0x0  }
0x158: {  	[sflag:s9] =	ssyncadd.s32 $0xFFFFCE00  }
0x159: {  	[hbm4b:s12+s2] =	stream.linear.scatter [tilespmem:s7], [sflag:$0x3], $0x3200, $0x38;
	[tilespmem:$0x1BC28] =	vst v63  }
0x15a: {  	_ =	swait.ge [sflag:s8], $0x3200  }
0x15b: {  	s0 =	sadd.s32 $0xFFFFFFFF, s0;
	[sflag:s8] =	ssyncset.done $0x0  }
0x15c: {  	p2 =	sne.s32 s0, $0x0;
	[sflag:s8] =	ssyncadd.s32 $0xFFFFCE00  }
0x15d: {  	[hbm4b:s5+s2] =	stream.linear.scatter [tilespmem:s6], [sflag:$0x4], $0x3200, $0x38;
	[tilespmem:$0x1BC28] =	vst v63  }
.Ltmp2:
0x15e: {  	_ =	swait.ge [sflag:s11], $0x3200;
	(pc) =	sbr.rel @p2 .LBB2_4-.Ltmp2, $4  }
0x15f: {  	[sflag:s11] =	ssyncset.done $0x0  }
0x160: {  	[sflag:s11] =	ssyncadd.s32 $0xFFFFCE00  }
0x161: {  	_ =	swait.ge [sflag:s10], $0x3200  }
0x162: {  	s4 =	smov.u32 s5;
	s30 =	rddreg [dreg:$0x5];
	[sflag:s10] =	ssyncset.done $0x0  }
0x163: {  	s26 =	smov.u32 s21;
	s28 =	stileid.u32;
	s29 =	rddreg [dreg:$0x4]  }
0x164: {  	s21 =	smov.u32 s22;
	s22 =	smov.u32 s24;
	s24 =	rddreg [dreg:$0x15]  }
.LBB2_6:
0x165: {  	[sflag:s10] =	ssyncadd.s32 @p1 $0xFFFFCE00  }
0x166: {  	[tilespmem:s19], [sflag:$0x1] =	stream.linear.gather [hbm4b:s30+s2], $0x3200, $0x38;
	[tilespmem:$0x1BC28] =	vst v63  }
0x167: {  	s0 =	rddreg [dreg:$0x6]  }
0x168: {  	[tilespmem:s7], [sflag:$0x5] =	stream.linear.gather [hbm4b:s0+s2], $0x30C0, $0x38;
	[tilespmem:$0x1BC28] =	vst v63  }
0x169: {  	_ =	swait.ge [sflag:s9], $0x30C0  }
0x16a: {  	[sflag:s9] =	ssyncset.done $0x0  }
0x16b: {  	s4 =	rddreg [dreg:$0x7];
	[sflag:s9] =	ssyncadd.s32 $0xFFFFCF40  }
0x16c: {  	[spmem:s4] =	stream.linear.scatter [tilespmem:s7], [sflag:$0x5], $0x30C0, $0x38;
	[tilespmem:$0x1BC28] =	vst v63  }
0x16d: {  	s1 =	rddreg [dreg:$0x8]  }
0x16e: {  	[tilespmem:s6], [sflag:$0x6] =	stream.linear.gather [hbm4b:s1+s2], $0x30C0, $0x38;
	[tilespmem:$0x1BC28] =	vst v63  }
0x16f: {  	_ =	swait.ge [sflag:s8], $0x30C0  }
0x170: {  	[sflag:s8] =	ssyncset.done $0x0  }
0x171: {  	s30 =	rddreg [dreg:$0x9];
	[sflag:s8] =	ssyncadd.s32 $0xFFFFCF40  }
0x172: {  	[spmem:s30] =	stream.linear.scatter [tilespmem:s6], [sflag:$0x6], $0x30C0, $0x38;
	[tilespmem:$0x1BC28] =	vst v63  }
0x173: {  	_ =	swait.ge [sflag:s9], $0x30C0  }
0x174: {  	[sflag:s9] =	ssyncset.done $0x0  }
0x175: {  	s1 =	rddreg [dreg:$0xa];
	[sflag:s9] =	ssyncadd.s32 $0xFFFFCF40  }
0x176: {  	[tilespmem:s7], [sflag:$0x5] =	stream.linear.gather [hbm4b:s1+s2], $0x30C0, $0x38;
	[tilespmem:$0x1BC28] =	vst v63  }
0x177: {  	_ =	swait.ge [sflag:s9], $0x30C0  }
0x178: {  	[sflag:s9] =	ssyncset.done $0x0  }
0x179: {  	s4 =	rddreg [dreg:$0xb];
	[sflag:s9] =	ssyncadd.s32 $0xFFFFCF40  }
0x17a: {  	[spmem:s4] =	stream.linear.scatter [tilespmem:s7], [sflag:$0x5], $0x30C0, $0x38;
	[tilespmem:$0x1BC28] =	vst v63  }
0x17b: {  	_ =	swait.ge [sflag:s8], $0x30C0  }
0x17c: {  	[sflag:s8] =	ssyncset.done $0x0  }
0x17d: {  	s30 =	rddreg [dreg:$0xc];
	[sflag:s8] =	ssyncadd.s32 $0xFFFFCF40  }
0x17e: {  	[tilespmem:s6], [sflag:$0x6] =	stream.linear.gather [hbm4b:s30+s2], $0x30C0, $0x38;
	[tilespmem:$0x1BC28] =	vst v63  }
0x17f: {  	_ =	swait.ge [sflag:s8], $0x30C0  }
0x180: {  	[sflag:s8] =	ssyncset.done $0x0  }
0x181: {  	s1 =	rddreg [dreg:$0xd];
	[sflag:s8] =	ssyncadd.s32 $0xFFFFCF40  }
0x182: {  	[spmem:s1] =	stream.linear.scatter [tilespmem:s6], [sflag:$0x6], $0x30C0, $0x38;
	[tilespmem:$0x1BC28] =	vst v63  }
0x183: {  	_ =	swait.ge [sflag:s9], $0x30C0  }
0x184: {  	[sflag:s9] =	ssyncset.done $0x0  }
0x185: {  	s4 =	rddreg [dreg:$0xe];
	[sflag:s9] =	ssyncadd.s32 $0xFFFFCF40  }
0x186: {  	[tilespmem:s7], [sflag:$0x5] =	stream.linear.gather [hbm4b:s4+s2], $0x30C0, $0x38;
	[tilespmem:$0x1BC28] =	vst v63  }
0x187: {  	_ =	swait.ge [sflag:s9], $0x30C0  }
0x188: {  	[sflag:s9] =	ssyncset.done $0x0  }
0x189: {  	s30 =	rddreg [dreg:$0xf];
	[sflag:s9] =	ssyncadd.s32 $0xFFFFCF40  }
0x18a: {  	[spmem:s30] =	stream.linear.scatter [tilespmem:s7], [sflag:$0x5], $0x30C0, $0x38;
	[tilespmem:$0x1BC28] =	vst v63  }
0x18b: {  	_ =	swait.ge [sflag:s8], $0x30C0  }
0x18c: {  	[sflag:s8] =	ssyncset.done $0x0  }
0x18d: {  	s0 =	simm.s32 @p0 $0x5;
	[sflag:s8] =	ssyncadd.s32 $0xFFFFCF40  }
0x18e: {  	_ =	swait.ge @p0 [sflag:s0], $0x30C0  }
0x18f: {  	s4 =	simm.s32 @!p0 $0x18A28;
	[sflag:s0] =	ssyncset.done @p0 $0x0  }
0x190: {  	s1 =	rddreg [dreg:$0x10];
	[sflag:s0] =	ssyncadd.s32 @p0 $0xFFFFCF40;
	s0 =	simm.s32 @!p0 $0x0  }
0x191: {  	[tilespmem:s4], [sflag:$0x6] =	stream.linear.gather @!p0 [hbm4b:s1+s0], $0xC8, $0x38;
	[tilespmem:$0x1BC28] =	vst v63  }
0x192: {  	s0 =	simm.s32 @!p0 $0x6  }
0x193: {  	_ =	swait.ge @!p0 [sflag:s0], $0xC8  }
0x194: {  	[sflag:s0] =	ssyncset.done @!p0 $0x0  }
0x195: {  	s1 =	rddreg [dreg:$0x11];
	[sflag:s0] =	ssyncadd.s32 @!p0 $0xFFFFFF38  }
0x196: {  	[spmem:s1] =	stream.linear.scatter @!p0 [tilespmem:s4], [sflag:$0x6], $0xC8, $0x38;
	[tilespmem:$0x1BC28] =	vst v63  }
0x197: {  	s1 =	simm.s32 @!p0 $0x5  }
0x198: {  	_ =	swait.ge @!p0 [sflag:s1], $0x30C0  }
0x199: {  	[sflag:s1] =	ssyncset.done @!p0 $0x0  }
0x19a: {  	[sflag:s1] =	ssyncadd.s32 @!p0 $0xFFFFCF40  }
0x19b: {  	_ =	swait.ge @!p0 [sflag:s0], $0xC8  }
0x19c: {  	[sflag:s0] =	ssyncset.done @!p0 $0x0  }
0x19d: {  	[sflag:s0] =	ssyncadd.s32 @!p0 $0xFFFFFF38  }
0x19e: {  	[bflag:$0x0] =	sbarrier.arrive $0xFFFF  }
0x19f: {  	_ =	swait.ge [sflag:s20], $0x3200  }
0x1a0: {  	[sflag:s20] =	ssyncset.done $0x0  }
0x1a1: {  	[sflag:s20] =	ssyncadd.s32 $0xFFFFCE00  }
0x1a2: {  	[tilespmem:s7], [sflag:$0x5] =	stream.indirect.gather [spmem:s3], $0x1, s19, s14, $0xb8;
	[tilespmem:$0x1BC28] =	vst v63  }
0x1a3: {  	s1 =	rddreg [dreg:$0x12]  }
0x1a4: {  	[tilespmem:s15], [sflag:$0x2] =	stream.linear.gather [hbm4b:s1+s2], $0x3200, $0x38;
	[tilespmem:$0x1BC28] =	vst v63  }
0x1a5: {  	_ =	swait.ge [sflag:s16], $0x3200  }
0x1a6: {  	[sflag:s16] =	ssyncset.done $0x0  }
0x1a7: {  	[sflag:s16] =	ssyncadd.s32 $0xFFFFCE00  }
0x1a8: {  	[tilespmem:s6], [sflag:$0x6] =	stream.indirect.gather [spmem:s3], $0x1, s15, s14, $0xb8;
	[tilespmem:$0x1BC28] =	vst v63  }
0x1a9: {  	_ =	swait.ge [sflag:s9], $0x3200  }
0x1aa: {  	[sflag:s9] =	ssyncset.done $0x0  }
0x1ab: {  	s4 =	rddreg [dreg:$0x13];
	[sflag:s9] =	ssyncadd.s32 $0xFFFFCE00  }
0x1ac: {  	[hbm4b:s4+s2] =	stream.linear.scatter [tilespmem:s7], [sflag:$0x3], $0x3200, $0x38;
	[tilespmem:$0x1BC28] =	vst v63  }
0x1ad: {  	s30 =	rddreg [dreg:$0x14]  }
0x1ae: {  	[tilespmem:s19], [sflag:$0x1] =	stream.linear.gather [hbm4b:s30+s2], $0x3200, $0x38;
	[tilespmem:$0x1BC28] =	vst v63  }
0x1af: {  	_ =	swait.ge [sflag:s11], $0x3200  }
0x1b0: {  	[sflag:s11] =	ssyncset.done $0x0  }
0x1b1: {  	[sflag:s11] =	ssyncadd.s32 $0xFFFFCE00  }
0x1b2: {  	_ =	swait.ge [sflag:s20], $0x3200  }
0x1b3: {  	[sflag:s20] =	ssyncset.done $0x0  }
0x1b4: {  	[sflag:s20] =	ssyncadd.s32 $0xFFFFCE00  }
0x1b5: {  	[tilespmem:s7], [sflag:$0x5] =	stream.indirect.gather [spmem:s3], $0x1, s19, s14, $0xb8;
	[tilespmem:$0x1BC28] =	vst v63  }
0x1b6: {  	_ =	swait.ge [sflag:s8], $0x3200  }
0x1b7: {  	[sflag:s8] =	ssyncset.done $0x0  }
0x1b8: {  	[sflag:s8] =	ssyncadd.s32 $0xFFFFCE00  }
0x1b9: {  	[hbm4b:s24+s2] =	stream.linear.scatter [tilespmem:s6], [sflag:$0x4], $0x3200, $0x38;
	[tilespmem:$0x1BC28] =	vst v63  }
0x1ba: {  	_ = 	snop  }
0x1bb: {  	[tilespmem:s15], [sflag:$0x2] =	stream.linear.gather [hbm4b:s31+s2], $0x3200, $0x38;
	[tilespmem:$0x1BC28] =	vst v63  }
0x1bc: {  	_ =	swait.ge [sflag:s10], $0x3200  }
0x1bd: {  	[sflag:s10] =	ssyncset.done $0x0  }
0x1be: {  	[sflag:s10] =	ssyncadd.s32 $0xFFFFCE00  }
0x1bf: {  	_ =	swait.ge [sflag:s16], $0x3200  }
0x1c0: {  	[sflag:s16] =	ssyncset.done $0x0  }
0x1c1: {  	[sflag:s16] =	ssyncadd.s32 $0xFFFFCE00  }
0x1c2: {  	[tilespmem:s6], [sflag:$0x6] =	stream.indirect.gather [spmem:s3], $0x1, s15, s14, $0xb8;
	[tilespmem:$0x1BC28] =	vst v63  }
0x1c3: {  	_ =	swait.ge [sflag:s9], $0x3200  }
0x1c4: {  	[sflag:s9] =	ssyncset.done $0x0  }
0x1c5: {  	[sflag:s9] =	ssyncadd.s32 $0xFFFFCE00  }
0x1c6: {  	[hbm4b:s22+s2] =	stream.linear.scatter [tilespmem:s7], [sflag:$0x3], $0x3200, $0x38;
	[tilespmem:$0x1BC28] =	vst v63  }
0x1c7: {  	_ = 	snop  }
0x1c8: {  	[tilespmem:s19], [sflag:$0x1] =	stream.linear.gather [hbm4b:s25+s2], $0x3200, $0x38;
	[tilespmem:$0x1BC28] =	vst v63  }
0x1c9: {  	_ =	swait.ge [sflag:s11], $0x3200  }
0x1ca: {  	[sflag:s11] =	ssyncset.done $0x0  }
0x1cb: {  	[sflag:s11] =	ssyncadd.s32 $0xFFFFCE00  }
0x1cc: {  	_ =	swait.ge [sflag:s20], $0x3200  }
0x1cd: {  	[sflag:s20] =	ssyncset.done $0x0  }
0x1ce: {  	[sflag:s20] =	ssyncadd.s32 $0xFFFFCE00  }
0x1cf: {  	[tilespmem:s7], [sflag:$0x5] =	stream.indirect.gather [spmem:s3], $0x1, s19, s14, $0xb8;
	[tilespmem:$0x1BC28] =	vst v63  }
0x1d0: {  	_ =	swait.ge [sflag:s8], $0x3200  }
0x1d1: {  	[sflag:s8] =	ssyncset.done $0x0  }
0x1d2: {  	[sflag:s8] =	ssyncadd.s32 $0xFFFFCE00  }
0x1d3: {  	[hbm4b:s21+s2] =	stream.linear.scatter [tilespmem:s6], [sflag:$0x4], $0x3200, $0x38;
	[tilespmem:$0x1BC28] =	vst v63  }
0x1d4: {  	_ = 	snop  }
0x1d5: {  	[tilespmem:s15], [sflag:$0x2] =	stream.linear.gather [hbm4b:s23+s2], $0x3200, $0x38;
	[tilespmem:$0x1BC28] =	vst v63  }
0x1d6: {  	_ =	swait.ge [sflag:s10], $0x3200  }
0x1d7: {  	[sflag:s10] =	ssyncset.done $0x0  }
0x1d8: {  	[sflag:s10] =	ssyncadd.s32 $0xFFFFCE00  }
0x1d9: {  	_ =	swait.ge [sflag:s16], $0x3200  }
0x1da: {  	[sflag:s16] =	ssyncset.done $0x0  }
0x1db: {  	[sflag:s16] =	ssyncadd.s32 $0xFFFFCE00  }
0x1dc: {  	[tilespmem:s6], [sflag:$0x6] =	stream.indirect.gather [spmem:s3], $0x1, s15, s14, $0xb8;
	[tilespmem:$0x1BC28] =	vst v63  }
0x1dd: {  	_ =	swait.ge [sflag:s9], $0x3200  }
0x1de: {  	[sflag:s9] =	ssyncset.done $0x0  }
0x1df: {  	[sflag:s9] =	ssyncadd.s32 $0xFFFFCE00  }
0x1e0: {  	[hbm4b:s18+s2] =	stream.linear.scatter [tilespmem:s7], [sflag:$0x3], $0x3200, $0x38;
	[tilespmem:$0x1BC28] =	vst v63  }
0x1e1: {  	_ = 	snop  }
0x1e2: {  	[tilespmem:s19], [sflag:$0x1] =	stream.linear.gather [hbm4b:s26+s2], $0x3200, $0x38;
	[tilespmem:$0x1BC28] =	vst v63  }
0x1e3: {  	_ =	swait.ge [sflag:s11], $0x3200  }
0x1e4: {  	[sflag:s11] =	ssyncset.done $0x0  }
0x1e5: {  	[sflag:s11] =	ssyncadd.s32 $0xFFFFCE00  }
0x1e6: {  	_ =	swait.ge [sflag:s20], $0x3200  }
0x1e7: {  	[sflag:s20] =	ssyncset.done $0x0  }
0x1e8: {  	[sflag:s20] =	ssyncadd.s32 $0xFFFFCE00  }
0x1e9: {  	[tilespmem:s7], [sflag:$0x5] =	stream.indirect.gather [spmem:s3], $0x1, s19, s14, $0xb8;
	[tilespmem:$0x1BC28] =	vst v63  }
0x1ea: {  	_ =	swait.ge [sflag:s8], $0x3200  }
0x1eb: {  	[sflag:s8] =	ssyncset.done $0x0  }
0x1ec: {  	[sflag:s8] =	ssyncadd.s32 $0xFFFFCE00  }
0x1ed: {  	[hbm4b:s13+s2] =	stream.linear.scatter [tilespmem:s6], [sflag:$0x4], $0x3200, $0x38;
	[tilespmem:$0x1BC28] =	vst v63  }
0x1ee: {  	_ = 	snop  }
0x1ef: {  	[tilespmem:s15], [sflag:$0x2] =	stream.linear.gather [hbm4b:s17+s2], $0x3200, $0x38;
	[tilespmem:$0x1BC28] =	vst v63  }
0x1f0: {  	_ =	swait.ge [sflag:s10], $0x3200  }
0x1f1: {  	[sflag:s10] =	ssyncset.done $0x0  }
0x1f2: {  	[sflag:s10] =	ssyncadd.s32 $0xFFFFCE00  }
0x1f3: {  	_ =	swait.ge [sflag:s16], $0x3200  }
0x1f4: {  	[sflag:s16] =	ssyncset.done $0x0  }
0x1f5: {  	[sflag:s16] =	ssyncadd.s32 $0xFFFFCE00  }
0x1f6: {  	[tilespmem:s6], [sflag:$0x6] =	stream.indirect.gather [spmem:s3], $0x1, s15, s14, $0xb8;
	[tilespmem:$0x1BC28] =	vst v63  }
0x1f7: {  	_ =	swait.ge [sflag:s9], $0x3200  }
0x1f8: {  	[sflag:s9] =	ssyncset.done $0x0  }
0x1f9: {  	[sflag:s9] =	ssyncadd.s32 $0xFFFFCE00  }
0x1fa: {  	[hbm4b:s12+s2] =	stream.linear.scatter [tilespmem:s7], [sflag:$0x3], $0x3200, $0x38;
	[tilespmem:$0x1BC28] =	vst v63  }
0x1fb: {  	_ =	swait.ge [sflag:s8], $0x3200  }
0x1fc: {  	[sflag:s8] =	ssyncset.done $0x0  }
0x1fd: {  	[sflag:s8] =	ssyncadd.s32 $0xFFFFCE00  }
0x1fe: {  	[hbm4b:s5+s2] =	stream.linear.scatter [tilespmem:s6], [sflag:$0x4], $0x3200, $0x38;
	[tilespmem:$0x1BC28] =	vst v63  }
0x1ff: {  	_ =	swait.ge [sflag:s11], $0x3200  }
0x200: {  	[sflag:s11] =	ssyncset.done $0x0  }
0x201: {  	[sflag:s11] =	ssyncadd.s32 $0xFFFFCE00  }
0x202: {  	_ =	swait.ge [sflag:s10], $0x3200  }
0x203: {  	[sflag:s10] =	ssyncset.done $0x0  }
0x204: {  	[sflag:s10] =	ssyncadd.s32 $0xFFFFCE00  }
0x205: {  	_ =	sfence.sel $0x180000  }
0x206: {  	[bflag:$0x0] =	sbarrier.arrive $0xFFFF  }
0x207: {  	p0 =	sne.s32 s28, $0x0;
	_ =	strace $0x90000047  }
0x208: {  	s0 =	sadd.s32 @!p0 $0x100000, s29;
	[bflag:$0x2] =	sbarrier.arrive $0xFFFF  }
0x209: {  	[sflag:s0] =	ssyncadd.tile.s32 @!p0 $0x1;
	_ =	shalt  }
.LBB2_1:
.Ltmp3:
0x20a: {  	(pc) =	sbr.rel .LBB2_6-.Ltmp3, $2  }
0x20b: {  	_ =	sdelay $0x2  }
0x20c: {  	s13 =	smov.u32 s5;
	s5 =	smov.u32 s4  }
.LBB2_3:
.Ltmp4:
0x20d: {  	(pc) =	sbr.rel .LBB2_6-.Ltmp4, $4  }
0x20e: {  	_ = 	snop  }
0x20f: {  	s26 =	smov.u32 s21  }
0x210: {  	s5 =	smov.u32 s4;
	s28 =	stileid.u32;
	s29 =	rddreg [dreg:$0x4]  }
0x211: {  	s21 =	smov.u32 s22;
	s22 =	smov.u32 s24;
	s24 =	rddreg [dreg:$0x15]  }
.Lfunc_end2:
_tile_overlayer_lowered:
.L_overlay_start_2:
0x212: {  	(tag) =	ssettag $0x2  }
0x213: {  	s0 =	rddreg [dreg:$0x0];
	s2 =	stileid.u32  }
0x214: {  	s1 =	rddreg [dreg:$0x1];
	p0 =	sne.s32 s2, $0x0  }
0x215: {  	s3 =	rddreg [dreg:$0x2];
	[bflag:$0x3] =	sbarrier.arrive $0xFFFF;
	s2 =	simm.s32 @!p0 $0x1C07  }
0x216: {  	[timem:s3], [sflag:s2] =	dma.local @!p0 [hbm:s0], s1  }
0x217: {  	s0 =	simm.s32 @!p0 $0x7  }
0x218: {  	_ =	swait.ge @!p0 [sflag:s0], s1  }
0x219: {  	s1 =	ssub.s32 @!p0 $0x0, s1;
	[sflag:s0] =	ssyncset.done @!p0 $0x0  }
0x21a: {  	[sflag:s0] =	ssyncadd.s32 @!p0 s1  }
0x21b: {  	[bflag:$0x3] =	sbarrier.arrive $0xFFFF  }
0x21c: {  	_ =	shalt  }

</sc_bundles>
